<compile_context>
chip_gen: v7x
topology: tpu7x:2x2x1
jax: 0.10.2.dev20260603
libtpu: 0.0.44.dev20260713+nightly
codegen_flags: <defaults>
</compile_context>

<pallas_src>
import functools

import jax
import jax.numpy as jnp
from jax import lax
from jax.experimental import pallas as pl
from jax.experimental.pallas import tpu as pltpu
from jax.experimental.pallas import tpu_sc as plsc

N_GATES = 4
B = 128
D_IN = 512
D_H = 512
D_A2C = 256
D_OUT = 10
DICT_LEN = 100000

BLK = 2000
NBLK = DICT_LEN // BLK
NCAND = 3
NEG_BIG = -1e30
IDX_BIG = 2 ** 30


def _topn_of(vals, idxs):
    out_v, out_i = [], []
    for _ in range(NCAND):
        m = jnp.max(vals, axis=1, keepdims=True)
        pick = jnp.min(jnp.where(vals == m, idxs, IDX_BIG),
                       axis=1, keepdims=True)
        out_v.append(m)
        out_i.append(pick)
        vals = jnp.where(idxs == pick, NEG_BIG, vals)
    return out_v, out_i


def _sim_body(q_ref, k_ref, best_ref, mv, mi):
    i = pl.program_id(0)
    q = q_ref[...]
    k = k_ref[...]
    qn = q / (jnp.sqrt(jnp.sum(q * q, axis=1, keepdims=True)) + 1e-8)
    kn = k / (jnp.sqrt(jnp.sum(k * k, axis=1, keepdims=True)) + 1e-8)
    sims = lax.dot_general(qn, kn, (((1,), (1,)), ((), ())),
                           preferred_element_type=jnp.float32)
    gidx = lax.broadcasted_iota(jnp.int32, (B, BLK), 1) + i * BLK
    bv, bi = _topn_of(sims, gidx)

    @pl.when(i == 0)
    def _():
        mv[...] = jnp.concatenate(bv, axis=1)
        mi[...] = jnp.concatenate(bi, axis=1)

    @pl.when(i > 0)
    def _():
        vals = jnp.concatenate([mv[...]] + bv, axis=1)
        idxs = jnp.concatenate([mi[...]] + bi, axis=1)
        nv, ni = _topn_of(vals, idxs)
        mv[...] = jnp.concatenate(nv, axis=1)
        mi[...] = jnp.concatenate(ni, axis=1)

    @pl.when(i == NBLK - 1)
    def _():
        best_ref[...] = mi[...]


_sim_call = pl.pallas_call(
    _sim_body,
    grid=(NBLK,),
    in_specs=[
        pl.BlockSpec((B, D_IN), lambda i: (0, 0)),
        pl.BlockSpec((BLK, D_IN), lambda i: (i, 0)),
    ],
    out_specs=pl.BlockSpec((B, NCAND), lambda i: (0, 0)),
    out_shape=jax.ShapeDtypeStruct((B, NCAND), jnp.int32),
    scratch_shapes=[
        pltpu.VMEM((B, NCAND), jnp.float32),
        pltpu.VMEM((B, NCAND), jnp.int32),
    ],
    compiler_params=pltpu.CompilerParams(
        dimension_semantics=("arbitrary",),
    ),
)


_NC = 2
_NW_USED = 16
_NIDX = NCAND * B
_BPW = _NIDX // _NW_USED


def _gather_body(idx_hbm, keys_hbm, vals_hbm, kim_hbm,
                 keys_out, vals_out, kim_out,
                 idx_v, krows_v, vrows_v, kim_v, sem0, sem1, sem2):
    wid = lax.axis_index("s") * _NC + lax.axis_index("c")

    @pl.when(wid < _NW_USED)
    def _():
        base = wid * _BPW
        pltpu.sync_copy(idx_hbm.at[pl.ds(base, _BPW)], idx_v)
        cp0 = pltpu.async_copy(keys_hbm.at[idx_v], krows_v, sem0)
        cp1 = pltpu.async_copy(vals_hbm.at[idx_v], vrows_v, sem1)
        cp2 = pltpu.async_copy(kim_hbm.at[idx_v], kim_v, sem2)
        cp0.wait()
        cp1.wait()
        cp2.wait()
        pltpu.sync_copy(krows_v, keys_out.at[pl.ds(base, _BPW)])
        pltpu.sync_copy(vrows_v, vals_out.at[pl.ds(base, _BPW)])
        pltpu.sync_copy(kim_v, kim_out.at[pl.ds(base, _BPW)])


@functools.lru_cache(maxsize=1)
def _sc_gather_call():
    return functools.partial(
        pl.kernel,
        mesh=plsc.VectorSubcoreMesh(core_axis_name="c", subcore_axis_name="s"),
        out_type=[
            jax.ShapeDtypeStruct((_NIDX, D_IN), jnp.float32),
            jax.ShapeDtypeStruct((_NIDX, D_H), jnp.float32),
            jax.ShapeDtypeStruct((_NIDX,), jnp.int32),
        ],
        scratch_types=[
            pltpu.VMEM((_BPW,), jnp.int32),
            pltpu.VMEM((_BPW, D_IN), jnp.float32),
            pltpu.VMEM((_BPW, D_H), jnp.float32),
            pltpu.VMEM((_BPW,), jnp.int32),
            pltpu.SemaphoreType.DMA,
            pltpu.SemaphoreType.DMA,
            pltpu.SemaphoreType.DMA,
        ],
    )(_gather_body)


def _head_body(q_ref, cand_ref, keys_ref, vals_ref, kim_ref,
               x_ref, h_ref, c_ref, wi_ref, wh_ref, bl_ref,
               wa_ref, ba_ref, wpi_ref, bpi_ref, wv_ref, bv_ref,
               a_ref, bc_ref, p_ref, v_ref, e_ref, ho_ref, co_ref):
    q = q_ref[...]
    qn = q / (jnp.sqrt(jnp.sum(q * q, axis=1, keepdims=True)) + 1e-8)
    svals, sidxs = [], []
    for t in range(NCAND):
        kt = keys_ref[pl.ds(t * B, B), :]
        ktn = kt / (jnp.sqrt(jnp.sum(kt * kt, axis=1, keepdims=True)) + 1e-8)
        svals.append(jnp.sum(qn * ktn, axis=1, keepdims=True))
        sidxs.append(cand_ref[:, t:t + 1])
    del svals
    bi = sidxs[0]
    mem = vals_ref[pl.ds(0, B), :]
    bc = kim_ref[pl.ds(0, B), :]
    for t in range(1, NCAND):
        sel = bi == sidxs[t]
        mem = jnp.where(sel, vals_ref[pl.ds(t * B, B), :], mem)
        bc = jnp.where(sel, kim_ref[pl.ds(t * B, B), :], bc)
    bc_ref[...] = bc

    x = x_ref[...]
    hh = h_ref[...]
    cc = c_ref[...]
    dn = (((1,), (1,)), ((), ()))
    preact = (lax.dot_general(x, wi_ref[...], dn,
                              preferred_element_type=jnp.float32)
              + lax.dot_general(hh, wh_ref[...], dn,
                                preferred_element_type=jnp.float32)
              + bl_ref[...])
    gates = jax.nn.sigmoid(preact[:, :N_GATES * D_H])
    f_t = gates[:, :D_H]
    i_t = gates[:, D_H:2 * D_H]
    o_t = gates[:, 2 * D_H:3 * D_H]
    r_t = gates[:, 3 * D_H:4 * D_H]
    c_tilde = jnp.tanh(preact[:, N_GATES * D_H:])
    m_t = jnp.tanh(mem)
    c_t = f_t * cc + i_t * c_tilde + r_t * m_t
    h_t = o_t * jnp.tanh(c_t)

    a_hid = jnp.maximum(
        lax.dot_general(h_t, wa_ref[...], dn,
                        preferred_element_type=jnp.float32) + ba_ref[...], 0.0)
    logits = (lax.dot_general(a_hid, wpi_ref[...], dn,
                              preferred_element_type=jnp.float32)
              + bpi_ref[...])
    v_ref[...] = (jnp.sum(a_hid * wv_ref[...], axis=1, keepdims=True)
                  + bv_ref[...])
    m = jnp.max(logits, axis=1, keepdims=True)
    e = jnp.exp(logits - m)
    pi = e / jnp.sum(e, axis=1, keepdims=True)
    pmax = jnp.max(pi, axis=1, keepdims=True)
    col = lax.broadcasted_iota(jnp.int32, (B, D_OUT), 1)
    a_ref[...] = jnp.min(jnp.where(pi == pmax, col, D_OUT),
                         axis=1, keepdims=True)
    p_ref[...] = jnp.log(pmax + 1e-12)
    e_ref[...] = -jnp.sum(pi * jnp.log(pi + 1e-12), axis=1, keepdims=True)
    ho_ref[...] = h_t
    co_ref[...] = c_t


_head_call = pl.pallas_call(
    _head_body,
    out_shape=(
        jax.ShapeDtypeStruct((B, 1), jnp.int32),
        jax.ShapeDtypeStruct((B, 1), jnp.int32),
        jax.ShapeDtypeStruct((B, 1), jnp.float32),
        jax.ShapeDtypeStruct((B, 1), jnp.float32),
        jax.ShapeDtypeStruct((B, 1), jnp.float32),
        jax.ShapeDtypeStruct((B, D_H), jnp.float32),
        jax.ShapeDtypeStruct((B, D_H), jnp.float32),
    ),
)


def kernel(obs_bar_reward, barcode_tensor, barcode_id, h, c, dnd_keys,
           dnd_vals, key_id_map, W_i2h, b_i2h, W_h2h, b_h2h,
           W_a2c_h, b_a2c_h, W_pi, b_pi, W_v, b_v):
    cand = _sim_call(barcode_tensor, dnd_keys)
    idx_all = cand.T.reshape(_NIDX)
    keys_c, vals_c, kim_c = _sc_gather_call()(
        idx_all, dnd_keys, dnd_vals, key_id_map)

    a_t, barcode, prob_a_t, v_t, entropy, h_t, c_t = _head_call(
        barcode_tensor, cand, keys_c, vals_c, kim_c.reshape(_NIDX, 1),
        obs_bar_reward, h, c,
        W_i2h, W_h2h, (b_i2h + b_h2h).reshape(1, -1),
        W_a2c_h, b_a2c_h.reshape(1, -1),
        W_pi, b_pi.reshape(1, -1), W_v, b_v.reshape(1, -1))
    return (a_t.reshape(B), barcode.reshape(B), prob_a_t.reshape(B), v_t,
            entropy.reshape(B), h_t, c_t)

# --- scband reference (transcript-rebuilt; emitter-appended) ---
"""Pipeline reference for scband-dndlstm-86973087744041 (READ-ONLY COPY).

The authoritative reference and input builder live on the scoring server;
editing this copy changes nothing except your own understanding.
"""

import jax, jax.numpy as jnp
import numpy as np

N_GATES = 4
B = 128
D_IN = 512
D_H = 512
D_A2C = 256
D_OUT = 10
DICT_LEN = 100000


def setup_inputs(seed: int = 0):
    key = jax.random.key(seed)
    ks = jax.random.split(key, 20)
    inp = {}
    inp['obs_bar_reward'] = jax.random.normal(ks[0], (B, D_IN), dtype=jnp.float32)
    inp['barcode_tensor'] = jax.random.normal(ks[1], (B, D_IN), dtype=jnp.float32)
    inp['barcode_id'] = jax.random.randint(ks[2], (B,), 0, DICT_LEN)
    inp['h'] = jax.random.normal(ks[3], (B, D_H), dtype=jnp.float32) * 0.1
    inp['c'] = jax.random.normal(ks[4], (B, D_H), dtype=jnp.float32) * 0.1
    inp['dnd_keys'] = jax.random.normal(ks[5], (DICT_LEN, D_IN), dtype=jnp.float32)
    inp['dnd_vals'] = jax.random.normal(ks[6], (DICT_LEN, D_H), dtype=jnp.float32)
    inp['key_id_map'] = jax.random.randint(ks[7], (DICT_LEN,), 0, DICT_LEN)
    s_in = 1.0 / np.sqrt(D_IN)
    s_h = 1.0 / np.sqrt(D_H)
    s_a = 1.0 / np.sqrt(D_A2C)
    inp['W_i2h'] = jax.random.uniform(ks[8], ((N_GATES + 1) * D_H, D_IN), minval=-s_in, maxval=s_in, dtype=jnp.float32)
    inp['b_i2h'] = jnp.zeros(((N_GATES + 1) * D_H,), dtype=jnp.float32)
    inp['W_h2h'] = jax.random.uniform(ks[9], ((N_GATES + 1) * D_H, D_H), minval=-s_h, maxval=s_h, dtype=jnp.float32)
    inp['b_h2h'] = jnp.zeros(((N_GATES + 1) * D_H,), dtype=jnp.float32)
    inp['W_a2c_h'] = jax.random.uniform(ks[10], (D_A2C, D_H), minval=-s_h, maxval=s_h, dtype=jnp.float32)
    inp['b_a2c_h'] = jnp.zeros((D_A2C,), dtype=jnp.float32)
    inp['W_pi'] = jax.random.uniform(ks[11], (D_OUT, D_A2C), minval=-s_a, maxval=s_a, dtype=jnp.float32)
    inp['b_pi'] = jnp.zeros((D_OUT,), dtype=jnp.float32)
    inp['W_v'] = jax.random.uniform(ks[12], (1, D_A2C), minval=-s_a, maxval=s_a, dtype=jnp.float32)
    inp['b_v'] = jnp.zeros((1,), dtype=jnp.float32)
    return inp


def reference(obs_bar_reward, barcode_tensor, barcode_id, h, c, dnd_keys, dnd_vals, key_id_map,
              W_i2h, b_i2h, W_h2h, b_h2h, W_a2c_h, b_a2c_h, W_pi, b_pi, W_v, b_v):
    # exp_settings: agent_input='obs/context' -> x_t = obs_bar_reward
    #               mem_store='context'      -> q_t = barcode_tensor
    x_t = obs_bar_reward
    q_t = barcode_tensor
    # LSTM preactivations
    Wx = x_t @ W_i2h.T + b_i2h
    Wh = h @ W_h2h.T + b_h2h
    preact = Wx + Wh
    gates = jax.nn.sigmoid(preact[:, :N_GATES * D_H])
    f_t = gates[:, :D_H]
    i_t = gates[:, D_H:2 * D_H]
    o_t = gates[:, 2 * D_H:3 * D_H]
    r_t = gates[:, -D_H:]
    c_t_new = jnp.tanh(preact[:, N_GATES * D_H:])
    c_t = f_t * c + i_t * c_t_new
    # DND.get_memory_non_embedder: cosine-similarity 1-NN retrieval over the dictionary
    qn = q_t / (jnp.linalg.norm(q_t, axis=1, keepdims=True) + 1e-08)
    kn = dnd_keys / (jnp.linalg.norm(dnd_keys, axis=1, keepdims=True) + 1e-08)
    sims = qn @ kn.T  # [B, DICT_LEN]
    _, best_idx = jax.lax.top_k(sims, 1)
    best_idx = best_idx[:, 0]
    mem = jnp.take(dnd_vals, best_idx, axis=0)
    predicted_barcode = jnp.take(key_id_map, best_idx, axis=0)
    m_t = jnp.tanh(mem)
    c_t = c_t + r_t * m_t
    h_t = o_t * jnp.tanh(c_t)
    # A2C head: shared hidden -> policy softmax + value
    a_hid = jax.nn.relu(h_t @ W_a2c_h.T + b_a2c_h)
    pi_a_t = jax.nn.softmax(a_hid @ W_pi.T + b_pi, axis=-1)
    v_t = a_hid @ W_v.T + b_v
    entropy = -jnp.sum(pi_a_t * jnp.log(pi_a_t + 1e-12), axis=-1)
    # deterministic action selection (argmax) in place of Categorical sampling
    a_t = jnp.argmax(pi_a_t, axis=-1)
    prob_a_t = jnp.log(jnp.take_along_axis(pi_a_t, a_t[:, None], axis=1)[:, 0] + 1e-12)
    return (a_t, predicted_barcode, prob_a_t, v_t, entropy, h_t, c_t)

if __name__ == "__main__":
    import jax
    _d = setup_inputs()
    print(jax.jit(kernel)(*tuple(_d.values())))

</pallas_src>

<mosaic_0001>
#map = affine_map<(d0, d1) -> (0)>
#map1 = affine_map<(d0, d1) -> (0, 0)>
module attributes {stable_mosaic.version = 14 : i64} {
  func.func @_gather_body(%arg0: i32, %arg1: i32, %arg2: memref<384xi32, #tpu.memory_space<hbm>>, %arg3: memref<100000x512xf32, #tpu.memory_space<hbm>>, %arg4: memref<100000x512xf32, #tpu.memory_space<hbm>>, %arg5: memref<100000xi32, #tpu.memory_space<hbm>>, %arg6: memref<384x512xf32, #tpu.memory_space<hbm>>, %arg7: memref<384x512xf32, #tpu.memory_space<hbm>>, %arg8: memref<384xi32, #tpu.memory_space<hbm>>, %arg9: memref<24xi32, #tpu.memory_space<vmem>>, %arg10: memref<24x512xf32, #tpu.memory_space<vmem>>, %arg11: memref<24x512xf32, #tpu.memory_space<vmem>>, %arg12: memref<24xi32, #tpu.memory_space<vmem>>, %arg13: memref<!tpu.dma_semaphore, #tpu.memory_space<semaphore_mem>>, %arg14: memref<!tpu.dma_semaphore, #tpu.memory_space<semaphore_mem>>, %arg15: memref<!tpu.dma_semaphore, #tpu.memory_space<semaphore_mem>>) attributes {dimension_semantics = [#tpu.dimension_semantics<core_parallel>, #tpu.dimension_semantics<subcore_parallel>], iteration_bounds = array<i64: 2, 16>, scalar_prefetch = 0 : i64, scratch_operands = 7 : i64, tpu.core_type = #tpu.core_type<sc_vector_subcore>, window_params = [{transform_indices = #map}, {transform_indices = #map1}, {transform_indices = #map1}, {transform_indices = #map}, {transform_indices = #map1}, {transform_indices = #map1}, {transform_indices = #map}]} {
    %mul3A = arith.constant 2 : i32
    %mul3A_0 = arith.muli %arg1, %mul3A : i32
    %add3A = arith.addi %mul3A_0, %arg0 : i32
    %lt3A = arith.constant 16 : i32
    %lt3A_1 = arith.cmpi slt, %add3A, %lt3A : i32
    %convert_element_type3A = arith.extui %lt3A_1 : i1 to i32
    %cond3A = arith.constant 0 : i32
    %cond3A_2 = arith.cmpi ne, %convert_element_type3A, %cond3A : i32
    scf.if %cond3A_2 {
      %mul3A_3 = arith.constant 24 : i32
      %mul3A_4 = arith.muli %add3A, %mul3A_3 : i32
      "tpu.region"() ({
        %run_scoped3A = tpu.sem_alloc : memref<!tpu.dma_semaphore, #tpu.memory_space<semaphore_mem>>
        %dma_start3A_19 = tpu.memref_slice %arg2[%mul3A_4] : memref<384xi32, #tpu.memory_space<hbm>> -> memref<24xi32, #tpu.memory_space<hbm>>
        %dma_start3A_20 = tpu.memref_slice %arg2[%mul3A_4] : memref<384xi32, #tpu.memory_space<hbm>> -> memref<24xi32, #tpu.memory_space<hbm>>
        tpu.enqueue_dma source(%dma_start3A_20 : memref<24xi32, #tpu.memory_space<hbm>>) target(%arg9 : memref<24xi32, #tpu.memory_space<vmem>>) target_semaphore(%run_scoped3A : memref<!tpu.dma_semaphore, #tpu.memory_space<semaphore_mem>>)
        %dma_wait3A_21 = tpu.memref_slice %arg2[%mul3A_4] : memref<384xi32, #tpu.memory_space<hbm>> -> memref<24xi32, #tpu.memory_space<hbm>>
        %dma_wait3A_22 = tpu.memref_slice %arg2[%mul3A_4] : memref<384xi32, #tpu.memory_space<hbm>> -> memref<24xi32, #tpu.memory_space<hbm>>
        tpu.wait_dma2 semaphore(%run_scoped3A : memref<!tpu.dma_semaphore, #tpu.memory_space<semaphore_mem>>) src(%dma_wait3A_22 : memref<24xi32, #tpu.memory_space<hbm>>) dst(%arg9 : memref<24xi32, #tpu.memory_space<vmem>>)
        tpu.yield
      }) : () -> ()
      %dma_start3A = arith.constant 0 : i32
      %dma_start3A_5 = arith.constant 0 : i32
      %dma_start3A_6 = tpu.memref_slice %arg3[%dma_start3A, %dma_start3A_5] : memref<100000x512xf32, #tpu.memory_space<hbm>> -> memref<100000x512xf32, #tpu.memory_space<hbm>>
      tpu.enqueue_indirect_dma source(%dma_start3A_6 : memref<100000x512xf32, #tpu.memory_space<hbm>>) target(%arg10 : memref<24x512xf32, #tpu.memory_space<vmem>>) offsets(%arg9 : memref<24xi32, #tpu.memory_space<vmem>>) semaphore(%arg13 : memref<!tpu.dma_semaphore, #tpu.memory_space<semaphore_mem>>)
      %dma_start3A_7 = arith.constant 0 : i32
      %dma_start3A_8 = arith.constant 0 : i32
      %dma_start3A_9 = tpu.memref_slice %arg4[%dma_start3A_7, %dma_start3A_8] : memref<100000x512xf32, #tpu.memory_space<hbm>> -> memref<100000x512xf32, #tpu.memory_space<hbm>>
      tpu.enqueue_indirect_dma source(%dma_start3A_9 : memref<100000x512xf32, #tpu.memory_space<hbm>>) target(%arg11 : memref<24x512xf32, #tpu.memory_space<vmem>>) offsets(%arg9 : memref<24xi32, #tpu.memory_space<vmem>>) semaphore(%arg14 : memref<!tpu.dma_semaphore, #tpu.memory_space<semaphore_mem>>)
      %dma_start3A_10 = arith.constant 0 : i32
      %dma_start3A_11 = tpu.memref_slice %arg5[%dma_start3A_10] : memref<100000xi32, #tpu.memory_space<hbm>> -> memref<100000xi32, #tpu.memory_space<hbm>>
      tpu.enqueue_indirect_dma source(%dma_start3A_11 : memref<100000xi32, #tpu.memory_space<hbm>>) target(%arg12 : memref<24xi32, #tpu.memory_space<vmem>>) offsets(%arg9 : memref<24xi32, #tpu.memory_space<vmem>>) semaphore(%arg15 : memref<!tpu.dma_semaphore, #tpu.memory_space<semaphore_mem>>)
      %dma_wait3A = arith.constant 0 : i32
      %dma_wait3A_12 = arith.constant 0 : i32
      %dma_wait3A_13 = tpu.memref_slice %arg3[%dma_wait3A, %dma_wait3A_12] : memref<100000x512xf32, #tpu.memory_space<hbm>> -> memref<100000x512xf32, #tpu.memory_space<hbm>>
      tpu.wait_indirect_dma semaphore(%arg13 : memref<!tpu.dma_semaphore, #tpu.memory_space<semaphore_mem>>) src(%dma_wait3A_13 : memref<100000x512xf32, #tpu.memory_space<hbm>>) dst(%arg10 : memref<24x512xf32, #tpu.memory_space<vmem>>)
      %dma_wait3A_14 = arith.constant 0 : i32
      %dma_wait3A_15 = arith.constant 0 : i32
      %dma_wait3A_16 = tpu.memref_slice %arg4[%dma_wait3A_14, %dma_wait3A_15] : memref<100000x512xf32, #tpu.memory_space<hbm>> -> memref<100000x512xf32, #tpu.memory_space<hbm>>
      tpu.wait_indirect_dma semaphore(%arg14 : memref<!tpu.dma_semaphore, #tpu.memory_space<semaphore_mem>>) src(%dma_wait3A_16 : memref<100000x512xf32, #tpu.memory_space<hbm>>) dst(%arg11 : memref<24x512xf32, #tpu.memory_space<vmem>>)
      %dma_wait3A_17 = arith.constant 0 : i32
      %dma_wait3A_18 = tpu.memref_slice %arg5[%dma_wait3A_17] : memref<100000xi32, #tpu.memory_space<hbm>> -> memref<100000xi32, #tpu.memory_space<hbm>>
      tpu.wait_indirect_dma semaphore(%arg15 : memref<!tpu.dma_semaphore, #tpu.memory_space<semaphore_mem>>) src(%dma_wait3A_18 : memref<100000xi32, #tpu.memory_space<hbm>>) dst(%arg12 : memref<24xi32, #tpu.memory_space<vmem>>)
      "tpu.region"() ({
        %run_scoped3A = tpu.sem_alloc : memref<!tpu.dma_semaphore, #tpu.memory_space<semaphore_mem>>
        %dma_start3A_19 = arith.constant 0 : i32
        %dma_start3A_20 = tpu.memref_slice %arg6[%mul3A_4, %dma_start3A_19] : memref<384x512xf32, #tpu.memory_space<hbm>> -> memref<24x512xf32, #tpu.memory_space<hbm>>
        %dma_start3A_21 = arith.constant 0 : i32
        %dma_start3A_22 = tpu.memref_slice %arg6[%mul3A_4, %dma_start3A_21] : memref<384x512xf32, #tpu.memory_space<hbm>> -> memref<24x512xf32, #tpu.memory_space<hbm>>
        tpu.enqueue_dma source(%arg10 : memref<24x512xf32, #tpu.memory_space<vmem>>) target(%dma_start3A_22 : memref<24x512xf32, #tpu.memory_space<hbm>>) target_semaphore(%run_scoped3A : memref<!tpu.dma_semaphore, #tpu.memory_space<semaphore_mem>>)
        %dma_wait3A_23 = arith.constant 0 : i32
        %dma_wait3A_24 = tpu.memref_slice %arg6[%mul3A_4, %dma_wait3A_23] : memref<384x512xf32, #tpu.memory_space<hbm>> -> memref<24x512xf32, #tpu.memory_space<hbm>>
        %dma_wait3A_25 = arith.constant 0 : i32
        %dma_wait3A_26 = tpu.memref_slice %arg6[%mul3A_4, %dma_wait3A_25] : memref<384x512xf32, #tpu.memory_space<hbm>> -> memref<24x512xf32, #tpu.memory_space<hbm>>
        tpu.wait_dma2 semaphore(%run_scoped3A : memref<!tpu.dma_semaphore, #tpu.memory_space<semaphore_mem>>) src(%arg10 : memref<24x512xf32, #tpu.memory_space<vmem>>) dst(%dma_wait3A_26 : memref<24x512xf32, #tpu.memory_space<hbm>>)
        tpu.yield
      }) : () -> ()
      "tpu.region"() ({
        %run_scoped3A = tpu.sem_alloc : memref<!tpu.dma_semaphore, #tpu.memory_space<semaphore_mem>>
        %dma_start3A_19 = arith.constant 0 : i32
        %dma_start3A_20 = tpu.memref_slice %arg7[%mul3A_4, %dma_start3A_19] : memref<384x512xf32, #tpu.memory_space<hbm>> -> memref<24x512xf32, #tpu.memory_space<hbm>>
        %dma_start3A_21 = arith.constant 0 : i32
        %dma_start3A_22 = tpu.memref_slice %arg7[%mul3A_4, %dma_start3A_21] : memref<384x512xf32, #tpu.memory_space<hbm>> -> memref<24x512xf32, #tpu.memory_space<hbm>>
        tpu.enqueue_dma source(%arg11 : memref<24x512xf32, #tpu.memory_space<vmem>>) target(%dma_start3A_22 : memref<24x512xf32, #tpu.memory_space<hbm>>) target_semaphore(%run_scoped3A : memref<!tpu.dma_semaphore, #tpu.memory_space<semaphore_mem>>)
        %dma_wait3A_23 = arith.constant 0 : i32
        %dma_wait3A_24 = tpu.memref_slice %arg7[%mul3A_4, %dma_wait3A_23] : memref<384x512xf32, #tpu.memory_space<hbm>> -> memref<24x512xf32, #tpu.memory_space<hbm>>
        %dma_wait3A_25 = arith.constant 0 : i32
        %dma_wait3A_26 = tpu.memref_slice %arg7[%mul3A_4, %dma_wait3A_25] : memref<384x512xf32, #tpu.memory_space<hbm>> -> memref<24x512xf32, #tpu.memory_space<hbm>>
        tpu.wait_dma2 semaphore(%run_scoped3A : memref<!tpu.dma_semaphore, #tpu.memory_space<semaphore_mem>>) src(%arg11 : memref<24x512xf32, #tpu.memory_space<vmem>>) dst(%dma_wait3A_26 : memref<24x512xf32, #tpu.memory_space<hbm>>)
        tpu.yield
      }) : () -> ()
      "tpu.region"() ({
        %run_scoped3A = tpu.sem_alloc : memref<!tpu.dma_semaphore, #tpu.memory_space<semaphore_mem>>
        %dma_start3A_19 = tpu.memref_slice %arg8[%mul3A_4] : memref<384xi32, #tpu.memory_space<hbm>> -> memref<24xi32, #tpu.memory_space<hbm>>
        %dma_start3A_20 = tpu.memref_slice %arg8[%mul3A_4] : memref<384xi32, #tpu.memory_space<hbm>> -> memref<24xi32, #tpu.memory_space<hbm>>
        tpu.enqueue_dma source(%arg12 : memref<24xi32, #tpu.memory_space<vmem>>) target(%dma_start3A_20 : memref<24xi32, #tpu.memory_space<hbm>>) target_semaphore(%run_scoped3A : memref<!tpu.dma_semaphore, #tpu.memory_space<semaphore_mem>>)
        %dma_wait3A_21 = tpu.memref_slice %arg8[%mul3A_4] : memref<384xi32, #tpu.memory_space<hbm>> -> memref<24xi32, #tpu.memory_space<hbm>>
        %dma_wait3A_22 = tpu.memref_slice %arg8[%mul3A_4] : memref<384xi32, #tpu.memory_space<hbm>> -> memref<24xi32, #tpu.memory_space<hbm>>
        tpu.wait_dma2 semaphore(%run_scoped3A : memref<!tpu.dma_semaphore, #tpu.memory_space<semaphore_mem>>) src(%arg12 : memref<24xi32, #tpu.memory_space<vmem>>) dst(%dma_wait3A_22 : memref<24xi32, #tpu.memory_space<hbm>>)
        tpu.yield
      }) : () -> ()
    } else {
    }
    return
  }
}

module attributes {stable_mosaic.version = 14 : i64} {
  func.func @_head_body(%arg0: memref<128x512xf32, #tpu.memory_space<vmem>>, %arg1: memref<128x3xi32, #tpu.memory_space<vmem>>, %arg2: memref<384x512xf32, #tpu.memory_space<vmem>>, %arg3: memref<384x512xf32, #tpu.memory_space<vmem>>, %arg4: memref<384x1xi32, #tpu.memory_space<vmem>>, %arg5: memref<128x512xf32, #tpu.memory_space<vmem>>, %arg6: memref<128x512xf32, #tpu.memory_space<vmem>>, %arg7: memref<128x512xf32, #tpu.memory_space<vmem>>, %arg8: memref<2560x512xf32, #tpu.memory_space<vmem>>, %arg9: memref<2560x512xf32, #tpu.memory_space<vmem>>, %arg10: memref<1x2560xf32, #tpu.memory_space<vmem>>, %arg11: memref<256x512xf32, #tpu.memory_space<vmem>>, %arg12: memref<1x256xf32, #tpu.memory_space<vmem>>, %arg13: memref<10x256xf32, #tpu.memory_space<vmem>>, %arg14: memref<1x10xf32, #tpu.memory_space<vmem>>, %arg15: memref<1x256xf32, #tpu.memory_space<vmem>>, %arg16: memref<1x1xf32, #tpu.memory_space<vmem>>, %arg17: memref<128x1xi32, #tpu.memory_space<vmem>>, %arg18: memref<128x1xi32, #tpu.memory_space<vmem>>, %arg19: memref<128x1xf32, #tpu.memory_space<vmem>>, %arg20: memref<128x1xf32, #tpu.memory_space<vmem>>, %arg21: memref<128x1xf32, #tpu.memory_space<vmem>>, %arg22: memref<128x512xf32, #tpu.memory_space<vmem>>, %arg23: memref<128x512xf32, #tpu.memory_space<vmem>>) attributes {dimension_semantics = [], scalar_prefetch = 0 : i64, scratch_operands = 0 : i64, tpu.core_type = #tpu.core_type<tc>} {
    %get3A = arith.constant 0 : index
    %get3A_0 = arith.constant 0 : index
    %get3A_1 = vector.load %arg1[%get3A, %get3A_0] : memref<128x3xi32, #tpu.memory_space<vmem>>, vector<128x1xi32>
    %get3A_2 = arith.constant 0 : index
    %get3A_3 = arith.constant 1 : index
    %get3A_4 = vector.load %arg1[%get3A_2, %get3A_3] : memref<128x3xi32, #tpu.memory_space<vmem>>, vector<128x1xi32>
    %get3A_5 = arith.constant 0 : index
    %get3A_6 = arith.constant 2 : index
    %get3A_7 = vector.load %arg1[%get3A_5, %get3A_6] : memref<128x3xi32, #tpu.memory_space<vmem>>, vector<128x1xi32>
    %get3A_8 = arith.constant 0 : index
    %get3A_9 = arith.constant 0 : index
    %get3A_10 = vector.load %arg3[%get3A_8, %get3A_9] : memref<384x512xf32, #tpu.memory_space<vmem>>, vector<128x512xf32>
    %get3A_11 = arith.constant 0 : index
    %get3A_12 = arith.constant 0 : index
    %get3A_13 = vector.load %arg4[%get3A_11, %get3A_12] : memref<384x1xi32, #tpu.memory_space<vmem>>, vector<128x1xi32>
    %eq3A = arith.cmpi eq, %get3A_1, %get3A_4 : vector<128x1xi32>
    %get3A_14 = arith.constant 128 : index
    %get3A_15 = arith.constant 0 : index
    %get3A_16 = vector.load %arg3[%get3A_14, %get3A_15] : memref<384x512xf32, #tpu.memory_space<vmem>>, vector<128x512xf32>
    %broadcast_in_dim3A = vector.shape_cast %eq3A : vector<128x1xi1> to vector<128x1xi1>
    %broadcast_in_dim3A_17 = vector.broadcast %broadcast_in_dim3A : vector<128x1xi1> to vector<128x512xi1>
    %select_n3A = arith.select %broadcast_in_dim3A_17, %get3A_16, %get3A_10 : vector<128x512xi1>, vector<128x512xf32>
    %get3A_18 = arith.constant 128 : index
    %get3A_19 = arith.constant 0 : index
    %get3A_20 = vector.load %arg4[%get3A_18, %get3A_19] : memref<384x1xi32, #tpu.memory_space<vmem>>, vector<128x1xi32>
    %select_n3A_21 = arith.select %eq3A, %get3A_20, %get3A_13 : vector<128x1xi1>, vector<128x1xi32>
    %eq3A_22 = arith.cmpi eq, %get3A_1, %get3A_7 : vector<128x1xi32>
    %get3A_23 = arith.constant 256 : index
    %get3A_24 = arith.constant 0 : index
    %get3A_25 = vector.load %arg3[%get3A_23, %get3A_24] : memref<384x512xf32, #tpu.memory_space<vmem>>, vector<128x512xf32>
    %broadcast_in_dim3A_26 = vector.shape_cast %eq3A_22 : vector<128x1xi1> to vector<128x1xi1>
    %broadcast_in_dim3A_27 = vector.broadcast %broadcast_in_dim3A_26 : vector<128x1xi1> to vector<128x512xi1>
    %select_n3A_28 = arith.select %broadcast_in_dim3A_27, %get3A_25, %select_n3A : vector<128x512xi1>, vector<128x512xf32>
    %get3A_29 = arith.constant 256 : index
    %get3A_30 = arith.constant 0 : index
    %get3A_31 = vector.load %arg4[%get3A_29, %get3A_30] : memref<384x1xi32, #tpu.memory_space<vmem>>, vector<128x1xi32>
    %select_n3A_32 = arith.select %eq3A_22, %get3A_31, %select_n3A_21 : vector<128x1xi1>, vector<128x1xi32>
    %swap3A = arith.constant 0 : index
    %swap3A_33 = arith.constant 0 : index
    %swap3A_34 = vector.load %arg18[%swap3A, %swap3A_33] : memref<128x1xi32, #tpu.memory_space<vmem>>, vector<128x1xi32>
    tpu.vector_store %arg18[%swap3A, %swap3A_33], %select_n3A_32 {strides = array<i32>} : memref<128x1xi32, #tpu.memory_space<vmem>>, vector<128x1xi32>,
    %get3A_35 = arith.constant 0 : index
    %get3A_36 = arith.constant 0 : index
    %get3A_37 = vector.load %arg5[%get3A_35, %get3A_36] : memref<128x512xf32, #tpu.memory_space<vmem>>, vector<128x512xf32>
    %get3A_38 = arith.constant 0 : index
    %get3A_39 = arith.constant 0 : index
    %get3A_40 = vector.load %arg6[%get3A_38, %get3A_39] : memref<128x512xf32, #tpu.memory_space<vmem>>, vector<128x512xf32>
    %get3A_41 = arith.constant 0 : index
    %get3A_42 = arith.constant 0 : index
    %get3A_43 = vector.load %arg7[%get3A_41, %get3A_42] : memref<128x512xf32, #tpu.memory_space<vmem>>, vector<128x512xf32>
    %get3A_44 = arith.constant 0 : index
    %get3A_45 = arith.constant 0 : index
    %get3A_46 = vector.load %arg8[%get3A_44, %get3A_45] : memref<2560x512xf32, #tpu.memory_space<vmem>>, vector<2560x512xf32>
    %dot_general3A = arith.constant dense<0.000000e+00> : vector<128x2560xf32>
    %dot_general3A_47 = tpu.matmul %get3A_37, %get3A_46, %dot_general3A {dimension_numbers = #tpu.dot_dimension_numbers<[1], [1], [0], [0], [0, 0, 1, 0], [], []>, transpose_lhs_hint = false} : vector<128x512xf32>, vector<2560x512xf32>, vector<128x2560xf32> -> vector<128x2560xf32>
    %get3A_48 = arith.constant 0 : index
    %get3A_49 = arith.constant 0 : index
    %get3A_50 = vector.load %arg9[%get3A_48, %get3A_49] : memref<2560x512xf32, #tpu.memory_space<vmem>>, vector<2560x512xf32>
    %dot_general3A_51 = arith.constant dense<0.000000e+00> : vector<128x2560xf32>
    %dot_general3A_52 = tpu.matmul %get3A_40, %get3A_50, %dot_general3A_51 {dimension_numbers = #tpu.dot_dimension_numbers<[1], [1], [0], [0], [0, 0, 1, 0], [], []>, transpose_lhs_hint = false} : vector<128x512xf32>, vector<2560x512xf32>, vector<128x2560xf32> -> vector<128x2560xf32>
    %add3A = arith.addf %dot_general3A_47, %dot_general3A_52 : vector<128x2560xf32>
    %get3A_53 = arith.constant 0 : index
    %get3A_54 = arith.constant 0 : index
    %get3A_55 = vector.load %arg10[%get3A_53, %get3A_54] : memref<1x2560xf32, #tpu.memory_space<vmem>>, vector<1x2560xf32>
    %add3A_56 = vector.broadcast %get3A_55 : vector<1x2560xf32> to vector<128x2560xf32>
    %add3A_57 = arith.addf %add3A, %add3A_56 : vector<128x2560xf32>
    %slice3A = vector.extract_strided_slice %add3A_57 {offsets = [0, 0], sizes = [128, 2048], strides = [1, 1]} : vector<128x2560xf32> to vector<128x2048xf32>
    %logistic3A = arith.negf %slice3A : vector<128x2048xf32>
    %logistic3A_58 = math.exp %logistic3A : vector<128x2048xf32>
    %logistic3A_59 = arith.constant 1.000000e+00 : f32
    %logistic3A_60 = vector.broadcast %logistic3A_59 : f32 to vector<128x2048xf32>
    %logistic3A_61 = arith.addf %logistic3A_60, %logistic3A_58 : vector<128x2048xf32>
    %logistic3A_62 = arith.divf %logistic3A_60, %logistic3A_61 : vector<128x2048xf32>
    %slice3A_63 = vector.extract_strided_slice %logistic3A_62 {offsets = [0, 0], sizes = [128, 512], strides = [1, 1]} : vector<128x2048xf32> to vector<128x512xf32>
    %slice3A_64 = vector.extract_strided_slice %logistic3A_62 {offsets = [0, 512], sizes = [128, 512], strides = [1, 1]} : vector<128x2048xf32> to vector<128x512xf32>
    %slice3A_65 = vector.extract_strided_slice %logistic3A_62 {offsets = [0, 1024], sizes = [128, 512], strides = [1, 1]} : vector<128x2048xf32> to vector<128x512xf32>
    %slice3A_66 = vector.extract_strided_slice %logistic3A_62 {offsets = [0, 1536], sizes = [128, 512], strides = [1, 1]} : vector<128x2048xf32> to vector<128x512xf32>
    %slice3A_67 = vector.extract_strided_slice %add3A_57 {offsets = [0, 2048], sizes = [128, 512], strides = [1, 1]} : vector<128x2560xf32> to vector<128x512xf32>
    %tanh3A = math.tanh %slice3A_67 : vector<128x512xf32>
    %tanh3A_68 = math.tanh %select_n3A_28 : vector<128x512xf32>
    %mul3A = arith.mulf %slice3A_63, %get3A_43 : vector<128x512xf32>
    %mul3A_69 = arith.mulf %slice3A_64, %tanh3A : vector<128x512xf32>
    %add3A_70 = arith.addf %mul3A, %mul3A_69 : vector<128x512xf32>
    %mul3A_71 = arith.mulf %slice3A_66, %tanh3A_68 : vector<128x512xf32>
    %add3A_72 = arith.addf %add3A_70, %mul3A_71 : vector<128x512xf32>
    %tanh3A_73 = math.tanh %add3A_72 : vector<128x512xf32>
    %mul3A_74 = arith.mulf %slice3A_65, %tanh3A_73 : vector<128x512xf32>
    %get3A_75 = arith.constant 0 : index
    %get3A_76 = arith.constant 0 : index
    %get3A_77 = vector.load %arg11[%get3A_75, %get3A_76] : memref<256x512xf32, #tpu.memory_space<vmem>>, vector<256x512xf32>
    %dot_general3A_78 = arith.constant dense<0.000000e+00> : vector<128x256xf32>
    %dot_general3A_79 = tpu.matmul %mul3A_74, %get3A_77, %dot_general3A_78 {dimension_numbers = #tpu.dot_dimension_numbers<[1], [1], [0], [0], [0, 0, 1, 0], [], []>, transpose_lhs_hint = false} : vector<128x512xf32>, vector<256x512xf32>, vector<128x256xf32> -> vector<128x256xf32>
    %get3A_80 = arith.constant 0 : index
    %get3A_81 = arith.constant 0 : index
    %get3A_82 = vector.load %arg12[%get3A_80, %get3A_81] : memref<1x256xf32, #tpu.memory_space<vmem>>, vector<1x256xf32>
    %add3A_83 = vector.broadcast %get3A_82 : vector<1x256xf32> to vector<128x256xf32>
    %add3A_84 = arith.addf %dot_general3A_79, %add3A_83 : vector<128x256xf32>
    %max3A = arith.constant 0.000000e+00 : f32
    %max3A_85 = vector.broadcast %max3A : f32 to vector<128x256xf32>
    %max3A_86 = arith.maximumf %add3A_84, %max3A_85 : vector<128x256xf32>
    %get3A_87 = arith.constant 0 : index
    %get3A_88 = arith.constant 0 : index
    %get3A_89 = vector.load %arg13[%get3A_87, %get3A_88] : memref<10x256xf32, #tpu.memory_space<vmem>>, vector<10x256xf32>
    %dot_general3A_90 = arith.constant dense<0.000000e+00> : vector<128x10xf32>
    %dot_general3A_91 = tpu.matmul %max3A_86, %get3A_89, %dot_general3A_90 {dimension_numbers = #tpu.dot_dimension_numbers<[1], [1], [0], [0], [0, 0, 1, 0], [], []>, transpose_lhs_hint = false} : vector<128x256xf32>, vector<10x256xf32>, vector<128x10xf32> -> vector<128x10xf32>
    %get3A_92 = arith.constant 0 : index
    %get3A_93 = arith.constant 0 : index
    %get3A_94 = vector.load %arg14[%get3A_92, %get3A_93] : memref<1x10xf32, #tpu.memory_space<vmem>>, vector<1x10xf32>
    %add3A_95 = vector.broadcast %get3A_94 : vector<1x10xf32> to vector<128x10xf32>
    %add3A_96 = arith.addf %dot_general3A_91, %add3A_95 : vector<128x10xf32>
    %get3A_97 = arith.constant 0 : index
    %get3A_98 = arith.constant 0 : index
    %get3A_99 = vector.load %arg15[%get3A_97, %get3A_98] : memref<1x256xf32, #tpu.memory_space<vmem>>, vector<1x256xf32>
    %mul3A_100 = vector.broadcast %get3A_99 : vector<1x256xf32> to vector<128x256xf32>
    %mul3A_101 = arith.mulf %max3A_86, %mul3A_100 : vector<128x256xf32>
    %reduce_sum3A = arith.constant dense<0.000000e+00> : vector<128xf32>
    %reduce_sum3A_102 = vector.multi_reduction <add>, %mul3A_101, %reduce_sum3A [1] : vector<128x256xf32> to vector<128xf32>
    %broadcast_in_dim3A_103 = vector.shape_cast %reduce_sum3A_102 : vector<128xf32> to vector<128x1xf32>
    %get3A_104 = arith.constant 0 : index
    %get3A_105 = arith.constant 0 : index
    %get3A_106 = vector.load %arg16[%get3A_104, %get3A_105] : memref<1x1xf32, #tpu.memory_space<vmem>>, vector<1x1xf32>
    %add3A_107 = vector.broadcast %get3A_106 : vector<1x1xf32> to vector<128x1xf32>
    %add3A_108 = arith.addf %broadcast_in_dim3A_103, %add3A_107 : vector<128x1xf32>
    %swap3A_109 = arith.constant 0 : index
    %swap3A_110 = arith.constant 0 : index
    %swap3A_111 = vector.load %arg20[%swap3A_109, %swap3A_110] : memref<128x1xf32, #tpu.memory_space<vmem>>, vector<128x1xf32>
    tpu.vector_store %arg20[%swap3A_109, %swap3A_110], %add3A_108 {strides = array<i32>} : memref<128x1xf32, #tpu.memory_space<vmem>>, vector<128x1xf32>,
    %reduce_max3A = arith.constant dense<0xFF800000> : vector<128xf32>
    %reduce_max3A_112 = vector.multi_reduction <maximumf>, %add3A_96, %reduce_max3A [1] : vector<128x10xf32> to vector<128xf32>
    %broadcast_in_dim3A_113 = vector.shape_cast %reduce_max3A_112 : vector<128xf32> to vector<128x1xf32>
    %sub3A = vector.broadcast %broadcast_in_dim3A_113 : vector<128x1xf32> to vector<128x10xf32>
    %sub3A_114 = arith.subf %add3A_96, %sub3A : vector<128x10xf32>
    %exp3A = math.exp %sub3A_114 : vector<128x10xf32>
    %reduce_sum3A_115 = arith.constant dense<0.000000e+00> : vector<128xf32>
    %reduce_sum3A_116 = vector.multi_reduction <add>, %exp3A, %reduce_sum3A_115 [1] : vector<128x10xf32> to vector<128xf32>
    %broadcast_in_dim3A_117 = vector.shape_cast %reduce_sum3A_116 : vector<128xf32> to vector<128x1xf32>
    %div3A = vector.broadcast %broadcast_in_dim3A_117 : vector<128x1xf32> to vector<128x10xf32>
    %div3A_118 = arith.divf %exp3A, %div3A : vector<128x10xf32>
    %reduce_max3A_119 = arith.constant dense<0xFF800000> : vector<128xf32>
    %reduce_max3A_120 = vector.multi_reduction <maximumf>, %div3A_118, %reduce_max3A_119 [1] : vector<128x10xf32> to vector<128xf32>
    %broadcast_in_dim3A_121 = vector.shape_cast %reduce_max3A_120 : vector<128xf32> to vector<128x1xf32>
    %iota3A = tpu.iota {dimensions = array<i32: 1>} : vector<128x10xi32>
    %eq3A_122 = vector.broadcast %broadcast_in_dim3A_121 : vector<128x1xf32> to vector<128x10xf32>
    %eq3A_123 = arith.cmpf oeq, %div3A_118, %eq3A_122 : vector<128x10xf32>
    %jit3A = arith.constant 10 : i32
    %broadcast_in_dim3A_124 = vector.broadcast %jit3A : i32 to vector<128x10xi32>
    %select_n3A_125 = arith.select %eq3A_123, %iota3A, %broadcast_in_dim3A_124 : vector<128x10xi1>, vector<128x10xi32>
    %reduce_min3A = arith.constant dense<2147483647> : vector<128xi32>
    %reduce_min3A_126 = vector.multi_reduction <minsi>, %select_n3A_125, %reduce_min3A [1] : vector<128x10xi32> to vector<128xi32>
    %broadcast_in_dim3A_127 = vector.shape_cast %reduce_min3A_126 : vector<128xi32> to vector<128x1xi32>
    %swap3A_128 = arith.constant 0 : index
    %swap3A_129 = arith.constant 0 : index
    %swap3A_130 = vector.load %arg17[%swap3A_128, %swap3A_129] : memref<128x1xi32, #tpu.memory_space<vmem>>, vector<128x1xi32>
    tpu.vector_store %arg17[%swap3A_128, %swap3A_129], %broadcast_in_dim3A_127 {strides = array<i32>} : memref<128x1xi32, #tpu.memory_space<vmem>>, vector<128x1xi32>,
    %add3A_131 = arith.constant 9.99999996E-13 : f32
    %add3A_132 = vector.broadcast %add3A_131 : f32 to vector<128x1xf32>
    %add3A_133 = arith.addf %broadcast_in_dim3A_121, %add3A_132 : vector<128x1xf32>
    %log3A = math.log %add3A_133 : vector<128x1xf32>
    %swap3A_134 = arith.constant 0 : index
    %swap3A_135 = arith.constant 0 : index
    %swap3A_136 = vector.load %arg19[%swap3A_134, %swap3A_135] : memref<128x1xf32, #tpu.memory_space<vmem>>, vector<128x1xf32>
    tpu.vector_store %arg19[%swap3A_134, %swap3A_135], %log3A {strides = array<i32>} : memref<128x1xf32, #tpu.memory_space<vmem>>, vector<128x1xf32>,
    %add3A_137 = arith.constant 9.99999996E-13 : f32
    %add3A_138 = vector.broadcast %add3A_137 : f32 to vector<128x10xf32>
    %add3A_139 = arith.addf %div3A_118, %add3A_138 : vector<128x10xf32>
    %log3A_140 = math.log %add3A_139 : vector<128x10xf32>
    %mul3A_141 = arith.mulf %div3A_118, %log3A_140 : vector<128x10xf32>
    %reduce_sum3A_142 = arith.constant dense<0.000000e+00> : vector<128xf32>
    %reduce_sum3A_143 = vector.multi_reduction <add>, %mul3A_141, %reduce_sum3A_142 [1] : vector<128x10xf32> to vector<128xf32>
    %broadcast_in_dim3A_144 = vector.shape_cast %reduce_sum3A_143 : vector<128xf32> to vector<128x1xf32>
    %neg3A = arith.constant 0.000000e+00 : f32
    %neg3A_145 = vector.broadcast %neg3A : f32 to vector<128x1xf32>
    %neg3A_146 = arith.subf %neg3A_145, %broadcast_in_dim3A_144 : vector<128x1xf32>
    %swap3A_147 = arith.constant 0 : index
    %swap3A_148 = arith.constant 0 : index
    %swap3A_149 = vector.load %arg21[%swap3A_147, %swap3A_148] : memref<128x1xf32, #tpu.memory_space<vmem>>, vector<128x1xf32>
    tpu.vector_store %arg21[%swap3A_147, %swap3A_148], %neg3A_146 {strides = array<i32>} : memref<128x1xf32, #tpu.memory_space<vmem>>, vector<128x1xf32>,
    %swap3A_150 = arith.constant 0 : index
    %swap3A_151 = arith.constant 0 : index
    %swap3A_152 = vector.load %arg22[%swap3A_150, %swap3A_151] : memref<128x512xf32, #tpu.memory_space<vmem>>, vector<128x512xf32>
    tpu.vector_store %arg22[%swap3A_150, %swap3A_151], %mul3A_74 {strides = array<i32>} : memref<128x512xf32, #tpu.memory_space<vmem>>, vector<128x512xf32>,
    %swap3A_153 = arith.constant 0 : index
    %swap3A_154 = arith.constant 0 : index
    %swap3A_155 = vector.load %arg23[%swap3A_153, %swap3A_154] : memref<128x512xf32, #tpu.memory_space<vmem>>, vector<128x512xf32>
    tpu.vector_store %arg23[%swap3A_153, %swap3A_154], %add3A_72 {strides = array<i32>} : memref<128x512xf32, #tpu.memory_space<vmem>>, vector<128x512xf32>,
    return
  }
}

module attributes {stable_mosaic.version = 14 : i64} {
  func.func @_sim_body(%arg0: i32, %arg1: memref<128x512xf32, #tpu.memory_space<vmem>>, %arg2: memref<2000x512xf32, #tpu.memory_space<vmem>>, %arg3: memref<128x3xi32, #tpu.memory_space<vmem>>, %arg4: memref<128x3xf32, #tpu.memory_space<vmem>>, %arg5: memref<128x3xi32, #tpu.memory_space<vmem>>) attributes {dimension_semantics = [#tpu.dimension_semantics<arbitrary>], iteration_bounds = array<i64: 50>, scalar_prefetch = 0 : i64, scratch_operands = 2 : i64, tpu.core_type = #tpu.core_type<tc>, window_params = [{pipeline_mode = #tpu.pipeline_mode<synchronous>, transform_indices = @transform_0, window_bounds = array<i64: 128, 512>}, {transform_indices = @transform_1, window_bounds = array<i64: 2000, 512>}, {pipeline_mode = #tpu.pipeline_mode<synchronous>, transform_indices = @transform_2, window_bounds = array<i64: 128, 3>}]} {
    %get3A = arith.constant 0 : index
    %get3A_0 = arith.constant 0 : index
    %get3A_1 = vector.load %arg1[%get3A, %get3A_0] : memref<128x512xf32, #tpu.memory_space<vmem>>, vector<128x512xf32>
    %get3A_2 = arith.constant 0 : index
    %get3A_3 = arith.constant 0 : index
    %get3A_4 = vector.load %arg2[%get3A_2, %get3A_3] : memref<2000x512xf32, #tpu.memory_space<vmem>>, vector<2000x512xf32>
    %mul3A = arith.mulf %get3A_1, %get3A_1 : vector<128x512xf32>
    %reduce_sum3A = arith.constant dense<0.000000e+00> : vector<128xf32>
    %reduce_sum3A_5 = vector.multi_reduction <add>, %mul3A, %reduce_sum3A [1] : vector<128x512xf32> to vector<128xf32>
    %broadcast_in_dim3A = vector.shape_cast %reduce_sum3A_5 : vector<128xf32> to vector<128x1xf32>
    %sqrt3A = math.sqrt %broadcast_in_dim3A : vector<128x1xf32>
    %add3A = arith.constant 9.99999993E-9 : f32
    %add3A_6 = vector.broadcast %add3A : f32 to vector<128x1xf32>
    %add3A_7 = arith.addf %sqrt3A, %add3A_6 : vector<128x1xf32>
    %div3A = vector.broadcast %add3A_7 : vector<128x1xf32> to vector<128x512xf32>
    %div3A_8 = arith.divf %get3A_1, %div3A : vector<128x512xf32>
    %mul3A_9 = arith.mulf %get3A_4, %get3A_4 : vector<2000x512xf32>
    %reduce_sum3A_10 = arith.constant dense<0.000000e+00> : vector<2000xf32>
    %reduce_sum3A_11 = vector.multi_reduction <add>, %mul3A_9, %reduce_sum3A_10 [1] : vector<2000x512xf32> to vector<2000xf32>
    %broadcast_in_dim3A_12 = vector.shape_cast %reduce_sum3A_11 : vector<2000xf32> to vector<2000x1xf32>
    %sqrt3A_13 = math.sqrt %broadcast_in_dim3A_12 : vector<2000x1xf32>
    %add3A_14 = arith.constant 9.99999993E-9 : f32
    %add3A_15 = vector.broadcast %add3A_14 : f32 to vector<2000x1xf32>
    %add3A_16 = arith.addf %sqrt3A_13, %add3A_15 : vector<2000x1xf32>
    %div3A_17 = vector.broadcast %add3A_16 : vector<2000x1xf32> to vector<2000x512xf32>
    %div3A_18 = arith.divf %get3A_4, %div3A_17 : vector<2000x512xf32>
    %dot_general3A = arith.constant dense<0.000000e+00> : vector<128x2000xf32>
    %dot_general3A_19 = tpu.matmul %div3A_8, %div3A_18, %dot_general3A {dimension_numbers = #tpu.dot_dimension_numbers<[1], [1], [0], [0], [0, 0, 1, 0], [], []>, transpose_lhs_hint = false} : vector<128x512xf32>, vector<2000x512xf32>, vector<128x2000xf32> -> vector<128x2000xf32>
    %iota3A = tpu.iota {dimensions = array<i32: 1>} : vector<128x2000xi32>
    %mul3A_20 = arith.constant 2000 : i32
    %mul3A_21 = arith.muli %arg0, %mul3A_20 : i32
    %add3A_22 = vector.broadcast %mul3A_21 : i32 to vector<128x2000xi32>
    %add3A_23 = arith.addi %iota3A, %add3A_22 : vector<128x2000xi32>
    %reduce_max3A = arith.constant dense<0xFF800000> : vector<128xf32>
    %reduce_max3A_24 = vector.multi_reduction <maximumf>, %dot_general3A_19, %reduce_max3A [1] : vector<128x2000xf32> to vector<128xf32>
    %broadcast_in_dim3A_25 = vector.shape_cast %reduce_max3A_24 : vector<128xf32> to vector<128x1xf32>
    %eq3A = vector.broadcast %broadcast_in_dim3A_25 : vector<128x1xf32> to vector<128x2000xf32>
    %eq3A_26 = arith.cmpf oeq, %dot_general3A_19, %eq3A : vector<128x2000xf32>
    %jit3A = arith.constant 1073741824 : i32
    %broadcast_in_dim3A_27 = vector.broadcast %jit3A : i32 to vector<128x2000xi32>
    %select_n3A = arith.select %eq3A_26, %add3A_23, %broadcast_in_dim3A_27 : vector<128x2000xi1>, vector<128x2000xi32>
    %reduce_min3A = arith.constant dense<2147483647> : vector<128xi32>
    %reduce_min3A_28 = vector.multi_reduction <minsi>, %select_n3A, %reduce_min3A [1] : vector<128x2000xi32> to vector<128xi32>
    %broadcast_in_dim3A_29 = vector.shape_cast %reduce_min3A_28 : vector<128xi32> to vector<128x1xi32>
    %eq3A_30 = vector.broadcast %broadcast_in_dim3A_29 : vector<128x1xi32> to vector<128x2000xi32>
    %eq3A_31 = arith.cmpi eq, %add3A_23, %eq3A_30 : vector<128x2000xi32>
    %jit3A_32 = arith.constant -1.000000e+30 : f32
    %broadcast_in_dim3A_33 = vector.broadcast %jit3A_32 : f32 to vector<128x2000xf32>
    %select_n3A_34 = arith.select %eq3A_31, %broadcast_in_dim3A_33, %dot_general3A_19 : vector<128x2000xi1>, vector<128x2000xf32>
    %reduce_max3A_35 = arith.constant dense<0xFF800000> : vector<128xf32>
    %reduce_max3A_36 = vector.multi_reduction <maximumf>, %select_n3A_34, %reduce_max3A_35 [1] : vector<128x2000xf32> to vector<128xf32>
    %broadcast_in_dim3A_37 = vector.shape_cast %reduce_max3A_36 : vector<128xf32> to vector<128x1xf32>
    %eq3A_38 = vector.broadcast %broadcast_in_dim3A_37 : vector<128x1xf32> to vector<128x2000xf32>
    %eq3A_39 = arith.cmpf oeq, %select_n3A_34, %eq3A_38 : vector<128x2000xf32>
    %jit3A_40 = arith.constant 1073741824 : i32
    %broadcast_in_dim3A_41 = vector.broadcast %jit3A_40 : i32 to vector<128x2000xi32>
    %select_n3A_42 = arith.select %eq3A_39, %add3A_23, %broadcast_in_dim3A_41 : vector<128x2000xi1>, vector<128x2000xi32>
    %reduce_min3A_43 = arith.constant dense<2147483647> : vector<128xi32>
    %reduce_min3A_44 = vector.multi_reduction <minsi>, %select_n3A_42, %reduce_min3A_43 [1] : vector<128x2000xi32> to vector<128xi32>
    %broadcast_in_dim3A_45 = vector.shape_cast %reduce_min3A_44 : vector<128xi32> to vector<128x1xi32>
    %eq3A_46 = vector.broadcast %broadcast_in_dim3A_45 : vector<128x1xi32> to vector<128x2000xi32>
    %eq3A_47 = arith.cmpi eq, %add3A_23, %eq3A_46 : vector<128x2000xi32>
    %jit3A_48 = arith.constant -1.000000e+30 : f32
    %broadcast_in_dim3A_49 = vector.broadcast %jit3A_48 : f32 to vector<128x2000xf32>
    %select_n3A_50 = arith.select %eq3A_47, %broadcast_in_dim3A_49, %select_n3A_34 : vector<128x2000xi1>, vector<128x2000xf32>
    %reduce_max3A_51 = arith.constant dense<0xFF800000> : vector<128xf32>
    %reduce_max3A_52 = vector.multi_reduction <maximumf>, %select_n3A_50, %reduce_max3A_51 [1] : vector<128x2000xf32> to vector<128xf32>
    %broadcast_in_dim3A_53 = vector.shape_cast %reduce_max3A_52 : vector<128xf32> to vector<128x1xf32>
    %eq3A_54 = vector.broadcast %broadcast_in_dim3A_53 : vector<128x1xf32> to vector<128x2000xf32>
    %eq3A_55 = arith.cmpf oeq, %select_n3A_50, %eq3A_54 : vector<128x2000xf32>
    %jit3A_56 = arith.constant 1073741824 : i32
    %broadcast_in_dim3A_57 = vector.broadcast %jit3A_56 : i32 to vector<128x2000xi32>
    %select_n3A_58 = arith.select %eq3A_55, %add3A_23, %broadcast_in_dim3A_57 : vector<128x2000xi1>, vector<128x2000xi32>
    %reduce_min3A_59 = arith.constant dense<2147483647> : vector<128xi32>
    %reduce_min3A_60 = vector.multi_reduction <minsi>, %select_n3A_58, %reduce_min3A_59 [1] : vector<128x2000xi32> to vector<128xi32>
    %broadcast_in_dim3A_61 = vector.shape_cast %reduce_min3A_60 : vector<128xi32> to vector<128x1xi32>
    %eq3A_62 = arith.constant 0 : i32
    %eq3A_63 = arith.cmpi eq, %arg0, %eq3A_62 : i32
    %convert_element_type3A = arith.extui %eq3A_63 : i1 to i32
    %cond3A = arith.constant 0 : i32
    %cond3A_64 = arith.cmpi ne, %convert_element_type3A, %cond3A : i32
    scf.if %cond3A_64 {
      %concatenate3A = tpu.concatenate %broadcast_in_dim3A_25, %broadcast_in_dim3A_37, %broadcast_in_dim3A_53 in 1 : vector<128x1xf32>, vector<128x1xf32>, vector<128x1xf32> -> vector<128x3xf32>
      %swap3A = arith.constant 0 : index
      %swap3A_74 = arith.constant 0 : index
      %swap3A_75 = vector.load %arg4[%swap3A, %swap3A_74] : memref<128x3xf32, #tpu.memory_space<vmem>>, vector<128x3xf32>
      tpu.vector_store %arg4[%swap3A, %swap3A_74], %concatenate3A {strides = array<i32>} : memref<128x3xf32, #tpu.memory_space<vmem>>, vector<128x3xf32>,
      %concatenate3A_76 = tpu.concatenate %broadcast_in_dim3A_29, %broadcast_in_dim3A_45, %broadcast_in_dim3A_61 in 1 : vector<128x1xi32>, vector<128x1xi32>, vector<128x1xi32> -> vector<128x3xi32>
      %swap3A_77 = arith.constant 0 : index
      %swap3A_78 = arith.constant 0 : index
      %swap3A_79 = vector.load %arg5[%swap3A_77, %swap3A_78] : memref<128x3xi32, #tpu.memory_space<vmem>>, vector<128x3xi32>
      tpu.vector_store %arg5[%swap3A_77, %swap3A_78], %concatenate3A_76 {strides = array<i32>} : memref<128x3xi32, #tpu.memory_space<vmem>>, vector<128x3xi32>,
    } else {
    }
    %gt3A = arith.constant 0 : i32
    %gt3A_65 = arith.cmpi sgt, %arg0, %gt3A : i32
    %convert_element_type3A_66 = arith.extui %gt3A_65 : i1 to i32
    %cond3A_67 = arith.constant 0 : i32
    %cond3A_68 = arith.cmpi ne, %convert_element_type3A_66, %cond3A_67 : i32
    scf.if %cond3A_68 {
      %get3A_74 = arith.constant 0 : index
      %get3A_75 = arith.constant 0 : index
      %get3A_76 = vector.load %arg4[%get3A_74, %get3A_75] : memref<128x3xf32, #tpu.memory_space<vmem>>, vector<128x3xf32>
      %concatenate3A = tpu.concatenate %get3A_76, %broadcast_in_dim3A_25, %broadcast_in_dim3A_37, %broadcast_in_dim3A_53 in 1 : vector<128x3xf32>, vector<128x1xf32>, vector<128x1xf32>, vector<128x1xf32> -> vector<128x6xf32>
      %get3A_77 = arith.constant 0 : index
      %get3A_78 = arith.constant 0 : index
      %get3A_79 = vector.load %arg5[%get3A_77, %get3A_78] : memref<128x3xi32, #tpu.memory_space<vmem>>, vector<128x3xi32>
      %concatenate3A_80 = tpu.concatenate %get3A_79, %broadcast_in_dim3A_29, %broadcast_in_dim3A_45, %broadcast_in_dim3A_61 in 1 : vector<128x3xi32>, vector<128x1xi32>, vector<128x1xi32>, vector<128x1xi32> -> vector<128x6xi32>
      %reduce_max3A_81 = arith.constant dense<0xFF800000> : vector<128xf32>
      %reduce_max3A_82 = vector.multi_reduction <maximumf>, %concatenate3A, %reduce_max3A_81 [1] : vector<128x6xf32> to vector<128xf32>
      %broadcast_in_dim3A_83 = vector.shape_cast %reduce_max3A_82 : vector<128xf32> to vector<128x1xf32>
      %eq3A_84 = vector.broadcast %broadcast_in_dim3A_83 : vector<128x1xf32> to vector<128x6xf32>
      %eq3A_85 = arith.cmpf oeq, %concatenate3A, %eq3A_84 : vector<128x6xf32>
      %jit3A_86 = arith.constant 1073741824 : i32
      %broadcast_in_dim3A_87 = vector.broadcast %jit3A_86 : i32 to vector<128x6xi32>
      %select_n3A_88 = arith.select %eq3A_85, %concatenate3A_80, %broadcast_in_dim3A_87 : vector<128x6xi1>, vector<128x6xi32>
      %reduce_min3A_89 = arith.constant dense<2147483647> : vector<128xi32>
      %reduce_min3A_90 = vector.multi_reduction <minsi>, %select_n3A_88, %reduce_min3A_89 [1] : vector<128x6xi32> to vector<128xi32>
      %broadcast_in_dim3A_91 = vector.shape_cast %reduce_min3A_90 : vector<128xi32> to vector<128x1xi32>
      %eq3A_92 = vector.broadcast %broadcast_in_dim3A_91 : vector<128x1xi32> to vector<128x6xi32>
      %eq3A_93 = arith.cmpi eq, %concatenate3A_80, %eq3A_92 : vector<128x6xi32>
      %jit3A_94 = arith.constant -1.000000e+30 : f32
      %broadcast_in_dim3A_95 = vector.broadcast %jit3A_94 : f32 to vector<128x6xf32>
      %select_n3A_96 = arith.select %eq3A_93, %broadcast_in_dim3A_95, %concatenate3A : vector<128x6xi1>, vector<128x6xf32>
      %reduce_max3A_97 = arith.constant dense<0xFF800000> : vector<128xf32>
      %reduce_max3A_98 = vector.multi_reduction <maximumf>, %select_n3A_96, %reduce_max3A_97 [1] : vector<128x6xf32> to vector<128xf32>
      %broadcast_in_dim3A_99 = vector.shape_cast %reduce_max3A_98 : vector<128xf32> to vector<128x1xf32>
      %eq3A_100 = vector.broadcast %broadcast_in_dim3A_99 : vector<128x1xf32> to vector<128x6xf32>
      %eq3A_101 = arith.cmpf oeq, %select_n3A_96, %eq3A_100 : vector<128x6xf32>
      %jit3A_102 = arith.constant 1073741824 : i32
      %broadcast_in_dim3A_103 = vector.broadcast %jit3A_102 : i32 to vector<128x6xi32>
      %select_n3A_104 = arith.select %eq3A_101, %concatenate3A_80, %broadcast_in_dim3A_103 : vector<128x6xi1>, vector<128x6xi32>
      %reduce_min3A_105 = arith.constant dense<2147483647> : vector<128xi32>
      %reduce_min3A_106 = vector.multi_reduction <minsi>, %select_n3A_104, %reduce_min3A_105 [1] : vector<128x6xi32> to vector<128xi32>
      %broadcast_in_dim3A_107 = vector.shape_cast %reduce_min3A_106 : vector<128xi32> to vector<128x1xi32>
      %eq3A_108 = vector.broadcast %broadcast_in_dim3A_107 : vector<128x1xi32> to vector<128x6xi32>
      %eq3A_109 = arith.cmpi eq, %concatenate3A_80, %eq3A_108 : vector<128x6xi32>
      %jit3A_110 = arith.constant -1.000000e+30 : f32
      %broadcast_in_dim3A_111 = vector.broadcast %jit3A_110 : f32 to vector<128x6xf32>
      %select_n3A_112 = arith.select %eq3A_109, %broadcast_in_dim3A_111, %select_n3A_96 : vector<128x6xi1>, vector<128x6xf32>
      %reduce_max3A_113 = arith.constant dense<0xFF800000> : vector<128xf32>
      %reduce_max3A_114 = vector.multi_reduction <maximumf>, %select_n3A_112, %reduce_max3A_113 [1] : vector<128x6xf32> to vector<128xf32>
      %broadcast_in_dim3A_115 = vector.shape_cast %reduce_max3A_114 : vector<128xf32> to vector<128x1xf32>
      %eq3A_116 = vector.broadcast %broadcast_in_dim3A_115 : vector<128x1xf32> to vector<128x6xf32>
      %eq3A_117 = arith.cmpf oeq, %select_n3A_112, %eq3A_116 : vector<128x6xf32>
      %jit3A_118 = arith.constant 1073741824 : i32
      %broadcast_in_dim3A_119 = vector.broadcast %jit3A_118 : i32 to vector<128x6xi32>
      %select_n3A_120 = arith.select %eq3A_117, %concatenate3A_80, %broadcast_in_dim3A_119 : vector<128x6xi1>, vector<128x6xi32>
      %reduce_min3A_121 = arith.constant dense<2147483647> : vector<128xi32>
      %reduce_min3A_122 = vector.multi_reduction <minsi>, %select_n3A_120, %reduce_min3A_121 [1] : vector<128x6xi32> to vector<128xi32>
      %broadcast_in_dim3A_123 = vector.shape_cast %reduce_min3A_122 : vector<128xi32> to vector<128x1xi32>
      %concatenate3A_124 = tpu.concatenate %broadcast_in_dim3A_83, %broadcast_in_dim3A_99, %broadcast_in_dim3A_115 in 1 : vector<128x1xf32>, vector<128x1xf32>, vector<128x1xf32> -> vector<128x3xf32>
      %swap3A = arith.constant 0 : index
      %swap3A_125 = arith.constant 0 : index
      %swap3A_126 = vector.load %arg4[%swap3A, %swap3A_125] : memref<128x3xf32, #tpu.memory_space<vmem>>, vector<128x3xf32>
      tpu.vector_store %arg4[%swap3A, %swap3A_125], %concatenate3A_124 {strides = array<i32>} : memref<128x3xf32, #tpu.memory_space<vmem>>, vector<128x3xf32>,
      %concatenate3A_127 = tpu.concatenate %broadcast_in_dim3A_91, %broadcast_in_dim3A_107, %broadcast_in_dim3A_123 in 1 : vector<128x1xi32>, vector<128x1xi32>, vector<128x1xi32> -> vector<128x3xi32>
      %swap3A_128 = arith.constant 0 : index
      %swap3A_129 = arith.constant 0 : index
      %swap3A_130 = vector.load %arg5[%swap3A_128, %swap3A_129] : memref<128x3xi32, #tpu.memory_space<vmem>>, vector<128x3xi32>
      tpu.vector_store %arg5[%swap3A_128, %swap3A_129], %concatenate3A_127 {strides = array<i32>} : memref<128x3xi32, #tpu.memory_space<vmem>>, vector<128x3xi32>,
    } else {
    }
    %eq3A_69 = arith.constant 49 : i32
    %eq3A_70 = arith.cmpi eq, %arg0, %eq3A_69 : i32
    %convert_element_type3A_71 = arith.extui %eq3A_70 : i1 to i32
    %cond3A_72 = arith.constant 0 : i32
    %cond3A_73 = arith.cmpi ne, %convert_element_type3A_71, %cond3A_72 : i32
    scf.if %cond3A_73 {
      %get3A_74 = arith.constant 0 : index
      %get3A_75 = arith.constant 0 : index
      %get3A_76 = vector.load %arg5[%get3A_74, %get3A_75] : memref<128x3xi32, #tpu.memory_space<vmem>>, vector<128x3xi32>
      %swap3A = arith.constant 0 : index
      %swap3A_77 = arith.constant 0 : index
      %swap3A_78 = vector.load %arg3[%swap3A, %swap3A_77] : memref<128x3xi32, #tpu.memory_space<vmem>>, vector<128x3xi32>
      tpu.vector_store %arg3[%swap3A, %swap3A_77], %get3A_76 {strides = array<i32>} : memref<128x3xi32, #tpu.memory_space<vmem>>, vector<128x3xi32>,
    } else {
    }
    return
  }
  func.func @transform_0(%arg0: i32) -> (i32, i32) {
    %c0_i32 = arith.constant 0 : i32
    %c0_i32_0 = arith.constant 0 : i32
    %c0_i32_1 = arith.constant 0 : i32
    return %c0_i32, %c0_i32_0 : i32, i32
  }
  func.func @transform_1(%arg0: i32) -> (i32, i32) {
    %c0_i32 = arith.constant 0 : i32
    %c0_i32_0 = arith.constant 0 : i32
    return %arg0, %c0_i32 : i32, i32
  }
  func.func @transform_2(%arg0: i32) -> (i32, i32) {
    %c0_i32 = arith.constant 0 : i32
    %c0_i32_0 = arith.constant 0 : i32
    %c0_i32_1 = arith.constant 0 : i32
    return %c0_i32, %c0_i32_0 : i32, i32
  }
}

</mosaic_0001>

<sc_bundles>
// kernel: kernel.5.cloned.1.call-start
scs
__scs_entry_jumppad:
0x0: {  	(pc) =	sbr.rel $0x88, $3  }
0x1: {  	(tag) =	ssettag $0x0;
	lr =	simm.s32 $0x1  }
0x2: {  	[smem:$0x3F90] =	sst lr;
	_ =	strace $0xD0000000  }
0x3: {  	_ = 	snop  }
0x4: {  	_ = 	snop  }
0x5: {  	_ = 	snop  }
0x6: {  	_ = 	snop  }
0x7: {  	_ = 	snop  }
__scs_overlays_trampoline_lowered:
0x8: {  	[smem:$0x3F9F] =	sst s0  }
0x9: {  	[smem:$0x3FA0] =	sst s1  }
0xa: {  	[smem:$0x3FA1] =	sst s2  }
0xb: {  	[smem:$0x3FA2] =	sst s3  }
0xc: {  	[smem:$0x3FA3] =	sst s4  }
0xd: {  	[smem:$0x3FA4] =	sst s5  }
0xe: {  	[smem:$0x3FA5] =	sst s6  }
0xf: {  	[smem:$0x3FA6] =	sst s7  }
0x10: {  	[smem:$0x3FA7] =	sst s8  }
0x11: {  	[smem:$0x3FA8] =	sst s9;
	s0 =	simm.s32 @!p0 $0x0  }
0x12: {  	s1 =	sld [smem:$0x3F8E];
	s0 =	simm.s32 @p0 $0x1  }
0x13: {  	[smem:$0x3FA9] =	sst s0;
	s0 =	simm.s32 @!p1 $0x0  }
0x14: {  	s2 =	sld [smem:$0x3F8D];
	s0 =	simm.s32 @p1 $0x1  }
0x15: {  	[smem:$0x3FAA] =	sst s0;
	s0 =	simm.s32 @!p2 $0x0  }
0x16: {  	s3 =	sld [smem:$0x3FDB];
	s0 =	simm.s32 @p2 $0x1  }
0x17: {  	s4 =	simm.s32 $0x1BF5;
	[smem:$0x3FAC] =	sst s0  }
0x18: {  	s0 =	sld [smem:$0x3F8F];
	_ =	swait.ge [sflag:s4], $0x0  }
0x19: {  	s7 =	sld [smem:$0x3F90]  }
0x1a: {  	s8 =	sadd.s32 $0xFFFFE003, lr  }
0x1b: {  	s9 =	sadd.s32 $0xFFFFFEF7, lr;
	s5 =	simm.s32 $0xFFFFFFFF;
	p2 =	slt.u32 s8, $0xFFFFF086  }
0x1c: {  	p1 =	slt.u32 s9, $0xF7A;
	s5 =	simm.s32 @!p2 $0x0  }
0x1d: {  	s5 =	simm.s32 @p1 $0x1;
	p0 =	seq.s32 s7, s2  }
0x1e: {  	s7 =	smul.u32 @!p0 $0xF7A, s2;
	p2 =	seq.s32 @!p0 s5, $0x0  }
0x1f: {  	s9 =	smul.u32 $0xF7A, s1;
	s8 =	simm.s32 @!p0 $0x1BF5;
	p2 =	por !p2, p0  }
0x20: {  	[sflag:s8] =	ssyncset.s32 @!p0 $0xFFFFF086;
	s6 =	sadd.s32 @!p0 s3, s7;
	s7 =	simm.s32 @!p0 $0x108  }
0x21: {  	s3 =	sadd.s32 s3, s9;
	s6 =	sadd.s32 @!p0 $0x88, s6;
	s7 =	simm.s32 @p2 $0x1082  }
0x22: {  	[simem:s7], [sflag:s8] =	dma.local @!p0 [hbm:s6], $0xF7A  }
0x23: {  	s9 =	sor.u32 $0xD0000000, s2;
	s6 =	simm.s32 $0x108;
	_ =	swait.ge @!p0 [sflag:s8], $0x0  }
0x24: {  	s3 =	sadd.s32 $0x88, s3;
	s6 =	simm.s32 @!p1 $0x1082;
	[sflag:s4] =	ssyncset.s32 $0xFFFFF086  }
0x25: {  	[simem:s6], [sflag:s4] =	dma.local [hbm:s3], $0xF7A  }
0x26: {  	[smem:$0x3F90] =	sst s1;
	(tag) =	ssettag s2;
	_ =	strace s9  }
0x27: {  	s1 =	sld [smem:$0x3FA0]  }
0x28: {  	s2 =	sld [smem:$0x3FA1]  }
0x29: {  	s4 =	sld [smem:$0x3FA3]  }
0x2a: {  	p0 =	seq.s32 s5, $0x0;
	s5 =	sld [smem:$0x3FA4]  }
0x2b: {  	s6 =	sld [smem:$0x3FA5]  }
0x2c: {  	s7 =	sld [smem:$0x3FA6]  }
0x2d: {  	s3 =	simm.s32 $0x108;
	s8 =	sld [smem:$0x3FA7]  }
0x2e: {  	s3 =	simm.s32 @!p0 $0x1082;
	s9 =	sld [smem:$0x3FA8]  }
0x2f: {  	lr =	sadd.s32 s0, s3;
	s0 =	sld [smem:$0x3F9F]  }
0x30: {  	s3 =	sld [smem:$0x3FA2]  }
0x31: {  	[smem:$0x3FAB] =	sst s10  }
0x32: {  	s10 =	sld [smem:$0x3FA9];
	_ =	sdelay $0x3  }
0x33: {  	p0 =	seq.s32 s10, $0x1;
	s10 =	sld [smem:$0x3FAB];
	_ =	sdelay $0x3  }
0x34: {  	[smem:$0x3FAB] =	sst s10  }
0x35: {  	s10 =	sld [smem:$0x3FAA];
	_ =	sdelay $0x3  }
0x36: {  	p1 =	seq.s32 s10, $0x1;
	s10 =	sld [smem:$0x3FAB];
	_ =	sdelay $0x3  }
0x37: {  	[smem:$0x3FAB] =	sst s10  }
0x38: {  	s10 =	sld [smem:$0x3FAC]  }
0x39: {  	_ = 	snop;
	(pc) =	sbr.ind lr, $3  }
0x3a: {  	_ = 	snop  }
0x3b: {  	_ = 	snop  }
0x3c: {  	p2 =	seq.s32 s10, $0x1;
	s10 =	sld [smem:$0x3FAB]  }
0x3d: {  	_ =	shalt  }
0x3e: {  	_ =	shalt  }
0x3f: {  	_ =	shalt  }
0x40: {  	_ =	shalt  }
0x41: {  	_ =	shalt  }
0x42: {  	_ =	shalt  }
0x43: {  	_ =	shalt  }
0x44: {  	_ =	shalt  }
0x45: {  	_ =	shalt  }
0x46: {  	_ =	shalt  }
0x47: {  	_ =	shalt  }
0x48: {  	_ =	shalt  }
0x49: {  	_ =	shalt  }
0x4a: {  	_ =	shalt  }
0x4b: {  	_ =	shalt  }
0x4c: {  	_ =	shalt  }
0x4d: {  	_ =	shalt  }
0x4e: {  	_ =	shalt  }
0x4f: {  	_ =	shalt  }
0x50: {  	_ =	shalt  }
0x51: {  	_ =	shalt  }
0x52: {  	_ =	shalt  }
0x53: {  	_ =	shalt  }
0x54: {  	_ =	shalt  }
0x55: {  	_ =	shalt  }
0x56: {  	_ =	shalt  }
0x57: {  	_ =	shalt  }
0x58: {  	_ =	shalt  }
0x59: {  	_ =	shalt  }
0x5a: {  	_ =	shalt  }
0x5b: {  	_ =	shalt  }
0x5c: {  	_ =	shalt  }
0x5d: {  	_ =	shalt  }
0x5e: {  	_ =	shalt  }
0x5f: {  	_ =	shalt  }
0x60: {  	_ =	shalt  }
0x61: {  	_ =	shalt  }
0x62: {  	_ =	shalt  }
0x63: {  	_ =	shalt  }
0x64: {  	_ =	shalt  }
0x65: {  	_ =	shalt  }
0x66: {  	_ =	shalt  }
0x67: {  	_ =	shalt  }
0x68: {  	_ =	shalt  }
0x69: {  	_ =	shalt  }
0x6a: {  	_ =	shalt  }
0x6b: {  	_ =	shalt  }
0x6c: {  	_ =	shalt  }
0x6d: {  	_ =	shalt  }
0x6e: {  	_ =	shalt  }
0x6f: {  	_ =	shalt  }
0x70: {  	_ =	shalt  }
0x71: {  	_ =	shalt  }
0x72: {  	_ =	shalt  }
0x73: {  	_ =	shalt  }
0x74: {  	_ =	shalt  }
0x75: {  	_ =	shalt  }
0x76: {  	_ =	shalt  }
0x77: {  	_ =	shalt  }
0x78: {  	_ =	shalt  }
0x79: {  	_ =	shalt  }
0x7a: {  	_ =	shalt  }
0x7b: {  	_ =	shalt  }
0x7c: {  	_ =	shalt  }
0x7d: {  	_ =	shalt  }
0x7e: {  	_ =	shalt  }
0x7f: {  	_ =	shalt  }
0x80: {  	_ =	shalt  }
0x81: {  	_ =	shalt  }
0x82: {  	_ =	shalt  }
0x83: {  	_ =	shalt  }
0x84: {  	_ =	shalt  }
0x85: {  	_ =	shalt  }
0x86: {  	_ =	shalt  }
0x87: {  	_ =	shalt  }
.Lfunc_end0:
.L_simem_size_0:
called_computation_lowered:
.L_overlay_start_0:
0x88: {  	s2 =	sld [smem:$0x3FD9]  }
0x89: {  	s3 =	sld [smem:$0x3FFE];
	_ =	sdelay $0x1  }
0x8a: {  	s1 =	srdreg.scid  }
0x8b: {  	s0 =	sand.u32 $0x1, s1  }
0x8c: {  	s14 =	sshll.u32 s0, $0xA;
	s2 =	sadd.s32 s3, s2  }
0x8d: {  	s2 =	sadd.s32 s2, s14  }
0x8e: {  	[smem:$0x3FB7] =	sst s2  }
0x8f: {  	_ = 	snop  }
0x90: {  	s2 =	sld [smem:$0x3FD0]  }
0x91: {  	s15 =	sld [smem:$0x3FC5]  }
0x92: {  	s4 =	sld [smem:$0x3FC4]  }
0x93: {  	s6 =	simm.s32 $0xA;
	s7 =	simm.s32 $0x10;
	s5 =	sld [smem:$0x3FC3]  }
0x94: {  	[smem:s7], [sflag:s6] =	dma.local [hbm:s2], $0x1  }
0x95: {  	_ =	swait.eq [sflag:s6], $0x1  }
0x96: {  	[sflag:s6] =	ssyncset.done $0x0  }
0x97: {  	[sflag:s6] =	ssyncadd.s32 $0xFFFFFFFF  }
0x98: {  	s16 =	sld [smem:$0x15];
	(tm) =	ssettm $0x1  }
0x99: {  	s17 =	sld [smem:$0x3FFB];
	_ =	sdelay $0x3  }
0x9a: {  	_ =	strace s17  }
0x9b: {  	s6 =	sld [smem:$0x3FFC];
	_ =	sdelay $0x3  }
0x9c: {  	_ =	strace s6  }
0x9d: {  	s6 =	sld [smem:$0x3FFD];
	_ =	sdelay $0x3  }
0x9e: {  	_ =	strace s6  }
0x9f: {  	_ =	strace $0x8FFFFFFF  }
0xa0: {  	s18 =	sld [smem:$0x3FDB];
	_ =	sdelay $0x1  }
0xa1: {  	s19 =	simm.s32 $_scs_section_size  }
0xa2: {  	s8 =	simm.s32 $_size__tile_overlayer_lowered;
	s9 =	simm.s32 $_tile_overlayer_lowered  }
0xa3: {  	s22 =	simm.s32 $0x1BFF;
	s21 =	sshll.u32 s9, $0x1;
	s6 =	sadd.s32 s19, s18  }
0xa4: {  	s10 =	simm.s32 $0x0;
	s20 =	sshll.u32 s8, $0x1;
	s8 =	sadd.s32 s21, s6  }
0xa5: {  	[timem:s10], [sflag:s22] =	dma.local [hbm:s8], s20  }
0xa6: {  	_ =	swait.ge [sflag:s22], s20  }
0xa7: {  	s7 =	ssub.s32 $0x0, s20;
	[sflag:s22] =	ssyncset.done $0x0  }
0xa8: {  	[sflag:s22] =	ssyncadd.s32 s7;
	_ =	sdelay $0x1  }
0xa9: {  	s23 =	simm.s32 $0x1B8B  }
0xaa: {  	_ =	swait.ge [sflag:s23], $0x1  }
0xab: {  	[sflag:s23] =	ssyncset.done $0x0  }
0xac: {  	s25 =	simm.s32 $0x1B8E;
	s24 =	sld [smem:$0x3FFE];
	[sflag:s23] =	ssyncadd.s32 $0xFFFFFFFF  }
0xad: {  	s26 =	simm.s32 $execute0_lowered;
	[smem:$0x3FD2] =	sst s25  }
0xae: {  	s8 =	sshll.u32 s26, $0x1;
	_ =	strace $0x80000046;
	[dreg:$0x1] =	wrdreg $0xFFFFFFFF  }
0xaf: {  	s28 =	simm.s32 $_size_execute0_lowered;
	s6 =	sadd.s32 s6, s8;
	[dreg:$0x0] =	wrdreg $0x0  }
0xb0: {  	s8 =	sshll.u32 s28, $0x1;
	[dreg:$0x2] =	wrdreg s6  }
0xb1: {  	[dreg:$0x3] =	wrdreg s8  }
0xb2: {  	[dreg:$0x4] =	wrdreg $0xC0  }
0xb3: {  	_ =	task [dreg:s10], $0x5FFFF  }
0xb4: {  	[dreg:$0x1] =	wrdreg $0xFFFFFFFF  }
0xb5: {  	[dreg:$0x0] =	wrdreg $0x60  }
0xb6: {  	[dreg:$0x2] =	wrdreg s16  }
0xb7: {  	[dreg:$0x3] =	wrdreg s15  }
0xb8: {  	[dreg:$0x4] =	wrdreg s4  }
0xb9: {  	[dreg:$0x5] =	wrdreg s5  }
0xba: {  	[dreg:$0x6] =	wrdreg s24  }
0xbb: {  	[dreg:$0x7] =	wrdreg $0x9  }
0xbc: {  	_ =	task.clear_ibuf [dreg:s10], $0x8FFFF;
	_ =	strace $0x90000046  }
0xbd: {  	s29 =	simm.s32 $0x9;
	_ =	strace $0x80000048  }
0xbe: {  	_ =	swait.ge [sflag:s29], $0x1  }
0xbf: {  	[sflag:s29] =	ssyncadd.s32 $0xFFFFFFFF  }
0xc0: {  	_ =	strace $0x90000048  }
0xc1: {  	_ =	sfence  }
0xc2: {  	s30 =	sld [smem:$0x0];
	_ =	sdelay $0x2  }
0xc3: {  	s31 =	sshll.u32 s1, $0xD;
	s1 =	sshrl.u32 s1, $0x2  }
0xc4: {  	s3 =	sand.u32 $0x4000, s31;
	s1 =	sadd.s32 s1, s30  }
0xc5: {  	s0 =	sor.u32 s3, s0;
	s1 =	sshll.u32 s1, $0x11  }
0xc6: {  	s0 =	sor.u32 s1, s0  }
0xc7: {  	s0 =	sadd.s32 $0x8F2B, s0  }
0xc8: {  	[sflag:s0] =	ssyncadd.remote.s32 $0x1  }
0xc9: {  	_ =	sfence.sel $0xFFFF  }
0xca: {  	[dreg:$0x0] =	wrdreg $0xFFFFFFFF;
	(pc) =	sbr.abs _section_cstart, $3  }
0xcb: {  	[dreg:$0x1] =	wrdreg $0xFFFFFFFF  }
0xcc: {  	_ =	task.clear_ibuf [dreg:s10], $0x2FFFF;
	_ =	strace $0x9FFFFFFF  }
0xcd: {  	(tm) =	ssettm $0x7FFFFFFF  }
tec
execute0_lowered:
.L_overlay_start_1:
0x0: {  	(tag) =	ssettag $0x1  }
0x1: {  	s11 =	rddreg [dreg:$0x0];
	s3 =	stileid.u32  }
0x2: {  	s1 =	rddreg [dreg:$0x1];
	p0 =	sgt.u32 s3, $0x7  }
.Ltmp0:
0x3: {  	s2 =	rddreg [dreg:$0x2];
	(pc) =	sbr.rel @p0 .LBB2_3-.Ltmp0, $4  }
0x4: {  	s4 =	rddreg [dreg:$0x3]  }
0x5: {  	s6 =	rddreg [dreg:$0x4];
	s5 =	simm.s32 $0x0  }
0x6: {  	[smem:$0x7FF] =	sst s5  }
0x7: {  	s0 =	rddreg [dreg:$0x5];
	_ =	strace $0x80000047  }
0x8: {  	s7 =	srdreg.scid;
	s8 =	sshll.u32 s3, $0x1;
	s15 =	simm.s32 $0x880  }
0x9: {  	s16 =	simm.s32 $0x1080;
	s17 =	simm.s32 $0x1880;
	s18 =	simm.s32 $0x2080  }
0xa: {  	s19 =	simm.s32 $0x2880;
	s20 =	simm.s32 $0x3080;
	s21 =	simm.s32 $0x3880  }
0xb: {  	s22 =	simm.s32 $0x4080;
	s23 =	simm.s32 $0x4880;
	s24 =	simm.s32 $0x5080  }
0xc: {  	s25 =	simm.s32 $0x5880;
	s26 =	simm.s32 $0x18;
	s7 =	sand.u32 $0x1, s7  }
0xd: {  	s28 =	simm.s32 $0x6080;
	s29 =	simm.s32 $0x1;
	s8 =	sor.u32 s7, s8  }
0xe: {  	s30 =	simm.s32 $0x2;
	s13 =	ssub.s32 $0x2, s7;
	s9 =	smul.u32 $0x600, s8  }
0xf: {  	s31 =	simm.s32 $0x3;
	s12 =	smul.u32 $0x3, s8;
	s14 =	sshrl.u32 s13, $0x1  }
0x10: {  	s7 =	sadd.s32 $0x100, s2;
	s13 =	ssub.s32 s13, s14;
	s14 =	simm.s32 $0x80  }
0x11: {  	v2 =	vlaneseq.u32;
	s9 =	sadd.s32 s9, s6;
	s10 =	sadd.s32 s12, s6;
	s6 =	sadd.s32 $0x100, s1  }
0x12: {  	vm0 =	vmmov $0xffff;
	v1 =	vshrl.u32 v2, $0x3;
	s11 =	sadd.s32 s11, s12;
	s12 =	smax.u32 s13, $0x1;
	s13 =	simm.s32 $0x4  }
0x13: {  	v0 =	vand.u32 $0x7, v2;
	v2 =	vor.u32 $0x8, v2;
	v1 =	vmul.u32 $0x8, v1;
	s8 =	sadd.s32 $0x1A00, s9;
	s9 =	sadd.s32 $0x7A00, s9;
	s10 =	sadd.s32 $0x1800, s10  }
.LBB2_2:
0x14: {  	[tilespmem:s5], [sflag:$0x4] =	stream.linear.gather [hbm4b:s11+s5], $0x18, $0x38;
	[tilespmem:$0x6100] =	vst v63  }
0x15: {  	_ =	swait.ge [sflag:s13], $0x18  }
0x16: {  	[sflag:s13] =	ssyncset.done $0x0  }
0x17: {  	[sflag:s13] =	ssyncadd.s32 $0xFFFFFFE8  }
0x18: {  	v3 =	vld [tilespmem:$0x0];
	_ =	sdelay $0x4  }
0x19: {  	v4 =	vshll.u32 v3, $0x2  }
0x1a: {  	v3 =	vand.u32 $0x7, v3;
	v4 =	vand.u32 $0xFFFFFFE0, v4  }
0x1b: {  	v3 =	vor.u32 v3, v4  }
0x1c: {  	v4 =	vperm.xlane v3, v0;
	_ =	sdelay $0x1  }
0x1d: {  	v4 =	vadd.s32 v1, v4;
	_ =	sdelay $0x1  }
0x1e: {  	v3 =	vperm.xlane v3, v2;
	_ =	sdelay $0x1  }
0x1f: {  	v3 =	vadd.s32 v1, v3  }
0x20: {  	[tilespmem:s14], [sflag:$0x1] =	stream.indirect_vreg.gather [hbm4b:s1+s5], $0x80, v4, vm0, $0xb8;
	[tilespmem:$0x6100] =	vst v63  }
0x21: {  	_ = 	snop  }
0x22: {  	[tilespmem:s15], [sflag:$0x1] =	stream.indirect_vreg.gather [hbm4b:s6+s5], $0x80, v4, vm0, $0xb8;
	[tilespmem:$0x6100] =	vst v63  }
0x23: {  	_ = 	snop  }
0x24: {  	[tilespmem:s16], [sflag:$0x1] =	stream.indirect_vreg.gather [hbm4b:s1+s5], $0x80, v3, vm0, $0xb8;
	[tilespmem:$0x6100] =	vst v63  }
0x25: {  	_ = 	snop  }
0x26: {  	[tilespmem:s17], [sflag:$0x1] =	stream.indirect_vreg.gather [hbm4b:s6+s5], $0x80, v3, vm0, $0xb8;
	[tilespmem:$0x6100] =	vst v63  }
0x27: {  	v3 =	vld.msk [tilespmem:$0x10], $0xff;
	_ =	sdelay $0x4  }
0x28: {  	v61 =	vshll.u32 v3, $0x2  }
0x29: {  	v3 =	vand.u32 $0x7, v3;
	v4 =	vand.u32 $0xFFFFFFE0, v61  }
0x2a: {  	v3 =	vor.u32 v3, v4  }
0x2b: {  	v3 =	vperm.xlane v3, v0;
	_ =	sdelay $0x1  }
0x2c: {  	v3 =	vadd.s32 v1, v3;
	_ =	sdelay $0x4  }
0x2d: {  	[tilespmem:s18], [sflag:$0x1] =	stream.indirect_vreg.gather [hbm4b:s1+s5], $0x80, v3, vm0, $0xb8;
	[tilespmem:$0x6100] =	vst v63  }
0x2e: {  	_ = 	snop  }
0x2f: {  	[tilespmem:s19], [sflag:$0x1] =	stream.indirect_vreg.gather [hbm4b:s6+s5], $0x80, v3, vm0, $0xb8;
	[tilespmem:$0x6100] =	vst v63  }
0x30: {  	v3 =	vld [tilespmem:$0x0];
	_ =	sdelay $0x4  }
0x31: {  	v62 =	vshll.u32 v3, $0x2  }
0x32: {  	v3 =	vand.u32 $0x7, v3;
	v4 =	vand.u32 $0xFFFFFFE0, v62  }
0x33: {  	v3 =	vor.u32 v3, v4  }
0x34: {  	v4 =	vperm.xlane v3, v0;
	_ =	sdelay $0x1  }
0x35: {  	v4 =	vadd.s32 v1, v4;
	_ =	sdelay $0x1  }
0x36: {  	v3 =	vperm.xlane v3, v2;
	_ =	sdelay $0x1  }
0x37: {  	v3 =	vadd.s32 v1, v3  }
0x38: {  	[tilespmem:s20], [sflag:$0x2] =	stream.indirect_vreg.gather [hbm4b:s2+s5], $0x80, v4, vm0, $0xb8;
	[tilespmem:$0x6100] =	vst v63  }
0x39: {  	_ = 	snop  }
0x3a: {  	[tilespmem:s21], [sflag:$0x2] =	stream.indirect_vreg.gather [hbm4b:s7+s5], $0x80, v4, vm0, $0xb8;
	[tilespmem:$0x6100] =	vst v63  }
0x3b: {  	_ = 	snop  }
0x3c: {  	[tilespmem:s22], [sflag:$0x2] =	stream.indirect_vreg.gather [hbm4b:s2+s5], $0x80, v3, vm0, $0xb8;
	[tilespmem:$0x6100] =	vst v63  }
0x3d: {  	_ = 	snop  }
0x3e: {  	[tilespmem:s23], [sflag:$0x2] =	stream.indirect_vreg.gather [hbm4b:s7+s5], $0x80, v3, vm0, $0xb8;
	[tilespmem:$0x6100] =	vst v63  }
0x3f: {  	v3 =	vld.msk [tilespmem:$0x10], $0xff;
	_ =	sdelay $0x4  }
0x40: {  	v63 =	vshll.u32 v3, $0x2  }
0x41: {  	v3 =	vand.u32 $0x7, v3;
	v4 =	vand.u32 $0xFFFFFFE0, v63  }
0x42: {  	v3 =	vor.u32 v3, v4  }
0x43: {  	v3 =	vperm.xlane v3, v0;
	_ =	sdelay $0x1  }
0x44: {  	v3 =	vadd.s32 v1, v3;
	_ =	sdelay $0x4  }
0x45: {  	[tilespmem:s24], [sflag:$0x2] =	stream.indirect_vreg.gather [hbm4b:s2+s5], $0x80, v3, vm0, $0xb8;
	[tilespmem:$0x6100] =	vst v63  }
0x46: {  	_ = 	snop  }
0x47: {  	[tilespmem:s25], [sflag:$0x2] =	stream.indirect_vreg.gather [hbm4b:s7+s5], $0x80, v3, vm0, $0xb8;
	[tilespmem:$0x6100] =	vst v63  }
0x48: {  	_ = 	snop  }
0x49: {  	[tilespmem:s28], [sflag:$0x3] =	stream.indirect.gather [hbm4b:s4+s26], $0x1, s5, s26, $0xb8;
	[tilespmem:$0x6100] =	vst v63  }
0x4a: {  	_ =	swait.ge [sflag:s29], $0x3000  }
0x4b: {  	[sflag:s29] =	ssyncset.done $0x0  }
0x4c: {  	[sflag:s29] =	ssyncadd.s32 $0xFFFFD000  }
0x4d: {  	_ =	swait.ge [sflag:s30], $0x3000  }
0x4e: {  	[sflag:s30] =	ssyncset.done $0x0  }
0x4f: {  	[sflag:s30] =	ssyncadd.s32 $0xFFFFD000  }
0x50: {  	_ =	swait.ge [sflag:s31], $0x18  }
0x51: {  	[sflag:s31] =	ssyncset.done $0x0  }
0x52: {  	[sflag:s31] =	ssyncadd.s32 $0xFFFFFFE8  }
0x53: {  	[hbm4b:s8+s5] =	stream.linear.scatter [tilespmem:s14], [sflag:$0x4], $0x3000, $0x38;
	[tilespmem:$0x6100] =	vst v63  }
0x54: {  	_ =	swait.ge [sflag:s13], $0x3000  }
0x55: {  	[sflag:s13] =	ssyncset.done $0x0  }
0x56: {  	[sflag:s13] =	ssyncadd.s32 $0xFFFFD000  }
0x57: {  	[hbm4b:s9+s5] =	stream.linear.scatter [tilespmem:s20], [sflag:$0x4], $0x3000, $0x38;
	[tilespmem:$0x6100] =	vst v63  }
0x58: {  	_ =	swait.ge [sflag:s13], $0x3000  }
0x59: {  	p0 =	sne.s32 s12, $0x1;
	[sflag:s13] =	ssyncset.done $0x0  }
.Ltmp1:
0x5a: {  	[sflag:s13] =	ssyncadd.s32 $0xFFFFD000;
	(pc) =	sbr.rel @p0 .LBB2_2-.Ltmp1, $4  }
0x5b: {  	[hbm4b:s10+s5] =	stream.linear.scatter [tilespmem:s28], [sflag:$0x4], $0x18, $0x38;
	[tilespmem:$0x6100] =	vst v63  }
0x5c: {  	_ =	swait.ge [sflag:s13], $0x18  }
0x5d: {  	[sflag:s13] =	ssyncset.done $0x0  }
0x5e: {  	s12 =	sadd.s32 $0xFFFFFFFF, s12;
	[sflag:s13] =	ssyncadd.s32 $0xFFFFFFE8  }
.LBB2_3:
0x5f: {  	_ =	sfence.sel $0x180000  }
0x60: {  	[bflag:$0x0] =	sbarrier.arrive $0xFFFF  }
0x61: {  	p0 =	sne.s32 s3, $0x0;
	_ =	strace $0x90000047  }
0x62: {  	s0 =	sadd.s32 @!p0 $0x100000, s0;
	[bflag:$0x2] =	sbarrier.arrive $0xFFFF  }
0x63: {  	[sflag:s0] =	ssyncadd.tile.s32 @!p0 $0x1;
	_ =	shalt  }
.Lfunc_end2:
_tile_overlayer_lowered:
.L_overlay_start_2:
0x64: {  	(tag) =	ssettag $0x2  }
0x65: {  	s0 =	rddreg [dreg:$0x0];
	s2 =	stileid.u32  }
0x66: {  	s1 =	rddreg [dreg:$0x1];
	p0 =	sne.s32 s2, $0x0  }
0x67: {  	s3 =	rddreg [dreg:$0x2];
	[bflag:$0x3] =	sbarrier.arrive $0xFFFF;
	s2 =	simm.s32 @!p0 $0x1C04  }
0x68: {  	[timem:s3], [sflag:s2] =	dma.local @!p0 [hbm:s0], s1  }
0x69: {  	s0 =	simm.s32 @!p0 $0x4  }
0x6a: {  	_ =	swait.ge @!p0 [sflag:s0], s1  }
0x6b: {  	s1 =	ssub.s32 @!p0 $0x0, s1;
	[sflag:s0] =	ssyncset.done @!p0 $0x0  }
0x6c: {  	[sflag:s0] =	ssyncadd.s32 @!p0 s1  }
0x6d: {  	[bflag:$0x3] =	sbarrier.arrive $0xFFFF  }
0x6e: {  	_ =	shalt  }

</sc_bundles>
